<compile_context>
chip_gen: v7x
topology: tpu7x:2x2x1
jax: 0.10.2.dev20260603
libtpu: 0.0.44.dev20260713+nightly
codegen_flags: <defaults>
</compile_context>

<pallas_src>
import dataclasses
import functools

import jax
import jax.numpy as jnp
from jax import lax
from jax.experimental import pallas as pl
from jax.experimental.pallas import tpu as pltpu
from jax.experimental.pallas import tpu_sc as plsc

NX = 512
NY = 512
NZ = 1
C = 64
P = 32768
NSLOT = NX * NY * NZ
NCORES = 2
NSUB = 16
NW = NCORES * NSUB
SLOTS_PER_W = NSLOT // NW
L = 16
RPC = 128
NTRASH = NW * RPC
SENT = 0x7FFFFFFF


def _tc_build_table(feat_t):
    blk = 2048

    def body(x_ref, o_ref):
        o_ref[:, :C] = x_ref[...].T
        o_ref[:, C:] = jnp.zeros((blk, 128 - C), jnp.float32)

    return pl.pallas_call(
        body,
        grid=(P // blk,),
        in_specs=[pl.BlockSpec((C, blk), lambda i: (0, i))],
        out_specs=pl.BlockSpec((blk, 128), lambda i: (i, 0)),
        out_shape=jax.ShapeDtypeStruct((P, 128), jnp.float32),
    )(feat_t)


def _sc_scatter(idx, feat_ext):
    mesh = plsc.VectorSubcoreMesh(core_axis_name="c", subcore_axis_name="s")
    cp = pltpu.CompilerParams()
    if "needs_layout_passes" in pltpu.CompilerParams.__dataclass_fields__:
        cp = dataclasses.replace(cp, needs_layout_passes=False)

    nvec = SLOTS_PER_W // L
    cap = SLOTS_PER_W + RPC

    @functools.partial(
        pl.kernel,
        mesh=mesh,
        compiler_params=cp,
        out_type=(
            jax.ShapeDtypeStruct((NSLOT + NTRASH, 128), jnp.float32),
            jax.ShapeDtypeStruct((NSLOT,), jnp.int32),
        ),
        scratch_types=[
            pltpu.VMEM((P,), jnp.int32),
            pltpu.VMEM((SLOTS_PER_W,), jnp.int32),
            pltpu.VMEM((cap,), jnp.int32),
            pltpu.VMEM((cap,), jnp.int32),
            pltpu.VMEM((cap // RPC, RPC), jnp.int32),
            pltpu.VMEM((RPC, 128), jnp.float32),
            pltpu.SemaphoreType.DMA,
        ],
    )
    def body(idx_hbm, feat_hbm, t_hbm, src_hbm, idx_v, src_v,
             pid_v, dst_v, dst2_v, rows_v, sem):
        wid = lax.axis_index("c") * NSUB + lax.axis_index("s")
        base = wid * SLOTS_PER_W
        lanes = lax.iota(jnp.int32, L)

        pltpu.sync_copy(idx_hbm, idx_v)

        @pl.loop(0, SLOTS_PER_W, step=L)
        def _(j):
            src_v[pl.ds(j, L)] = jnp.full((L,), -1, jnp.int32)

        @pl.loop(0, P, step=4 * L)
        def _(p0):
            for u in range(4):
                v_idx = idx_v[pl.ds(p0 + u * L, L)]
                local = v_idx - base
                inr = local.astype(jnp.uint32) < jnp.uint32(SLOTS_PER_W)
                _, last = plsc.scan_count(local, mask=inr)
                plsc.store_scatter(src_v, [local], p0 + u * L + lanes,
                                   mask=last & inr)

        pltpu.sync_copy(src_v, src_hbm.at[pl.ds(base, SLOTS_PER_W)])

        def compact(k, off):
            v = src_v[pl.ds(k * L, L)]
            m = v >= 0
            plsc.store_compressed(pid_v.at[pl.ds(off, L)], v, mask=m)
            plsc.store_compressed(dst_v.at[pl.ds(off, L)],
                                  base + k * L + lanes, mask=m)
            return off + plsc.all_reduce_population_count(m)[0]

        nwin = lax.fori_loop(0, nvec, compact, jnp.int32(0))

        trash = NSLOT + wid * RPC + lanes

        @pl.loop(0, RPC, step=L)
        def _(t):
            pid_v[pl.ds(nwin + t, L)] = jnp.zeros((L,), jnp.int32)
            dst_v[pl.ds(nwin + t, L)] = trash + t

        @pl.loop(0, cap // L)
        def _(i):
            dst2_v[i >> 3, pl.ds((i & 7) * L, L)] = dst_v[pl.ds(i * L, L)]

        def move(k, carry):
            gat = pltpu.async_copy(
                feat_hbm.at[pid_v.at[pl.ds(k * RPC, RPC)]], rows_v, sem)
            gat.wait()
            sc = pltpu.async_copy(rows_v, t_hbm.at[dst2_v.at[k]], sem)
            sc.wait()
            return carry

        lax.fori_loop(0, (nwin + RPC - 1) // RPC, move, jnp.int32(0))

    return body(idx, feat_ext)


def _tc_transpose(t, src):
    blk = 8192
    yb = blk // NX

    def body(t_ref, s_ref, o_ref):
        x = t_ref[...]
        s = s_ref[0, 0, :]
        for y in range(yb):
            m = (s[y * NX:(y + 1) * NX] >= 0)[None, :]
            o_ref[:, y, :] = jnp.where(m, x[y * NX:(y + 1) * NX, :C].T, 0.0)

    return pl.pallas_call(
        body,
        grid=(NSLOT // blk,),
        in_specs=[
            pl.BlockSpec((blk, 128), lambda i: (i, 0)),
            pl.BlockSpec((1, 1, blk), lambda i: (i, 0, 0)),
        ],
        out_specs=pl.BlockSpec((C, yb, NX), lambda i: (0, i, 0)),
        out_shape=jax.ShapeDtypeStruct((C, NY, NX), jnp.float32),
    )(t, src.reshape(NSLOT // blk, 1, blk))


def kernel(pillar_features, coords):
    idx = (coords[:, 0] + coords[:, 1] * NX + coords[:, 2]).astype(jnp.int32)
    feat_ext = _tc_build_table(pillar_features.T)
    t, src = _sc_scatter(idx, feat_ext)
    out = _tc_transpose(t, src)
    return out.reshape(1, C * NZ, NY, NX)

# --- scband reference (transcript-rebuilt; emitter-appended) ---
"""Pipeline reference for scband-point-pillar-scatter-67448166417153 (READ-ONLY COPY).

The authoritative reference and input builder live on the scoring server;
editing this copy changes nothing except your own understanding.
"""

import jax, jax.numpy as jnp
import numpy as np

NX, NY, NZ = 512, 512, 1
NUM_BEV = 64
NUM_PILLARS = 32768

def setup_inputs(seed: int = 0) -> dict:
    key = jax.random.key(seed)
    k1, k2 = jax.random.split(key)
    pillar_features = jax.random.normal(k1, (NUM_PILLARS, NUM_BEV), dtype=jnp.float32)
    coords = jax.random.randint(k2, (NUM_PILLARS, 3), 0, 500)
    return {"pillar_features": pillar_features, "coords": coords}

def reference(pillar_features, coords):
    # indices = coords[:,0] + coords[:,1]*nx + coords[:,2], as in the torch module
    indices = (coords[:, 0] + coords[:, 1] * NX + coords[:, 2]).astype(jnp.int32)
    pillars = pillar_features.T  # [C, P]
    spatial_feature = jnp.zeros((NUM_BEV, NZ * NX * NY), dtype=pillar_features.dtype)
    # scatter-overwrite columns of the dense BEV canvas
    spatial_feature = spatial_feature.at[:, indices].set(pillars)
    batch_spatial_features = spatial_feature.reshape(1, NUM_BEV * NZ, NY, NX)
    return batch_spatial_features

if __name__ == "__main__":
    import jax
    _d = setup_inputs()
    print(jax.jit(kernel)(*tuple(_d.values())))

</pallas_src>

<mosaic_0001>
#map = affine_map<(d0, d1) -> (0)>
#map1 = affine_map<(d0, d1) -> (0, 0)>
module attributes {stable_mosaic.version = 14 : i64} {
  func.func @body(%arg0: i32, %arg1: i32, %arg2: memref<32768xi32, #tpu.memory_space<hbm>>, %arg3: memref<32768x128xf32, #tpu.memory_space<hbm>>, %arg4: memref<266240x128xf32, #tpu.memory_space<hbm>>, %arg5: memref<262144xi32, #tpu.memory_space<hbm>>, %arg6: memref<32768xi32, #tpu.memory_space<vmem>>, %arg7: memref<8192xi32, #tpu.memory_space<vmem>>, %arg8: memref<8320xi32, #tpu.memory_space<vmem>>, %arg9: memref<8320xi32, #tpu.memory_space<vmem>>, %arg10: memref<65x128xi32, #tpu.memory_space<vmem>>, %arg11: memref<128x128xf32, #tpu.memory_space<vmem>>, %arg12: memref<!tpu.dma_semaphore, #tpu.memory_space<semaphore_mem>>) attributes {dimension_semantics = [#tpu.dimension_semantics<core_parallel>, #tpu.dimension_semantics<subcore_parallel>], iteration_bounds = array<i64: 2, 16>, scalar_prefetch = 0 : i64, scratch_operands = 7 : i64, tpu.core_type = #tpu.core_type<sc_vector_subcore>, window_params = [{transform_indices = #map}, {transform_indices = #map1}, {transform_indices = #map1}, {transform_indices = #map}]} {
    %mul3A = arith.constant 16 : i32
    %mul3A_0 = arith.muli %arg0, %mul3A : i32
    %add3A = arith.addi %mul3A_0, %arg1 : i32
    %mul3A_1 = arith.constant 8192 : i32
    %mul3A_2 = arith.muli %add3A, %mul3A_1 : i32
    %iota3A = tpu.iota {dimensions = array<i32: 0>} : vector<16xi32>
    "tpu.region"() ({
      %run_scoped3A = tpu.sem_alloc : memref<!tpu.dma_semaphore, #tpu.memory_space<semaphore_mem>>
      tpu.enqueue_dma source(%arg2 : memref<32768xi32, #tpu.memory_space<hbm>>) target(%arg6 : memref<32768xi32, #tpu.memory_space<vmem>>) target_semaphore(%run_scoped3A : memref<!tpu.dma_semaphore, #tpu.memory_space<semaphore_mem>>)
      tpu.wait_dma2 semaphore(%run_scoped3A : memref<!tpu.dma_semaphore, #tpu.memory_space<semaphore_mem>>) src(%arg2 : memref<32768xi32, #tpu.memory_space<hbm>>) dst(%arg6 : memref<32768xi32, #tpu.memory_space<vmem>>)
      tpu.yield
    }) : () -> ()
    %scan3A = arith.constant 0 : i32
    %scan3A_3 = arith.constant 512 : i32
    %scan3A_4 = arith.addi %scan3A, %scan3A_3 : i32
    %scan3A_5 = arith.constant 1 : i32
    scf.for %scan3A_64 = %scan3A to %scan3A_4 step %scan3A_5  : i32 {
      %mul3A_65 = arith.constant 16 : i32
      %mul3A_66 = arith.muli %scan3A_64, %mul3A_65 : i32
      %add3A_67 = arith.constant 0 : i32
      %add3A_68 = arith.addi %add3A_67, %mul3A_66 : i32
      %broadcast_in_dim3A = arith.constant -1 : i32
      %broadcast_in_dim3A_69 = vector.broadcast %broadcast_in_dim3A : i32 to vector<16xi32>
      %swap3A = arith.index_cast %add3A_68 : i32 to index
      %swap3A_70 = tpu.vector_load %arg7[%swap3A] {strides = array<i32>} : memref<8192xi32, #tpu.memory_space<vmem>>, vector<16xi32>,
      tpu.vector_store %arg7[%swap3A], %broadcast_in_dim3A_69 {strides = array<i32>} : memref<8192xi32, #tpu.memory_space<vmem>>, vector<16xi32>,
    }
    %scan3A_6 = arith.constant 512 : i32
    %scan3A_7 = arith.constant 0 : i32
    %scan3A_8 = arith.constant 512 : i32
    %scan3A_9 = arith.addi %scan3A_7, %scan3A_8 : i32
    %scan3A_10 = arith.constant 1 : i32
    scf.for %scan3A_64 = %scan3A_7 to %scan3A_9 step %scan3A_10  : i32 {
      %mul3A_65 = arith.constant 64 : i32
      %mul3A_66 = arith.muli %scan3A_64, %mul3A_65 : i32
      %add3A_67 = arith.constant 0 : i32
      %add3A_68 = arith.addi %add3A_67, %mul3A_66 : i32
      %add3A_69 = arith.constant 0 : i32
      %add3A_70 = arith.addi %add3A_68, %add3A_69 : i32
      %get3A = arith.index_cast %add3A_70 : i32 to index
      %get3A_71 = tpu.vector_load %arg6[%get3A] {strides = array<i32>} : memref<32768xi32, #tpu.memory_space<vmem>>, vector<16xi32>,
      %sub3A_72 = vector.broadcast %mul3A_2 : i32 to vector<16xi32>
      %sub3A_73 = arith.subi %get3A_71, %sub3A_72 : vector<16xi32>
      %lt3A = arith.constant 8192 : i32
      %lt3A_74 = vector.broadcast %lt3A : i32 to vector<16xi32>
      %lt3A_75 = arith.cmpi ult, %sub3A_73, %lt3A_74 : vector<16xi32>
      %unique3A, %unique3A_76 = tpu.scan_count mask(%lt3A_75 : vector<16xi1>) value(%sub3A_73 : vector<16xi32>) : vector<16xi1>, vector<16xi32>
      %add3A_77 = arith.constant 0 : i32
      %add3A_78 = arith.addi %add3A_68, %add3A_77 : i32
      %add3A_79 = vector.broadcast %add3A_78 : i32 to vector<16xi32>
      %add3A_80 = arith.addi %add3A_79, %iota3A : vector<16xi32>
      %and3A_81 = arith.andi %unique3A, %lt3A_75 : vector<16xi1>
      tpu.vector_store_idx %arg7[%sub3A_73], %add3A_80 masked %and3A_81 : memref<8192xi32, #tpu.memory_space<vmem>>[vector<16xi32>], vector<16xi32>, vector<16xi1>
      %add3A_82 = arith.constant 16 : i32
      %add3A_83 = arith.addi %add3A_68, %add3A_82 : i32
      %get3A_84 = arith.index_cast %add3A_83 : i32 to index
      %get3A_85 = tpu.vector_load %arg6[%get3A_84] {strides = array<i32>} : memref<32768xi32, #tpu.memory_space<vmem>>, vector<16xi32>,
      %sub3A_86 = vector.broadcast %mul3A_2 : i32 to vector<16xi32>
      %sub3A_87 = arith.subi %get3A_85, %sub3A_86 : vector<16xi32>
      %lt3A_88 = arith.constant 8192 : i32
      %lt3A_89 = vector.broadcast %lt3A_88 : i32 to vector<16xi32>
      %lt3A_90 = arith.cmpi ult, %sub3A_87, %lt3A_89 : vector<16xi32>
      %unique3A_91, %unique3A_92 = tpu.scan_count mask(%lt3A_90 : vector<16xi1>) value(%sub3A_87 : vector<16xi32>) : vector<16xi1>, vector<16xi32>
      %add3A_93 = arith.constant 16 : i32
      %add3A_94 = arith.addi %add3A_68, %add3A_93 : i32
      %add3A_95 = vector.broadcast %add3A_94 : i32 to vector<16xi32>
      %add3A_96 = arith.addi %add3A_95, %iota3A : vector<16xi32>
      %and3A_97 = arith.andi %unique3A_91, %lt3A_90 : vector<16xi1>
      tpu.vector_store_idx %arg7[%sub3A_87], %add3A_96 masked %and3A_97 : memref<8192xi32, #tpu.memory_space<vmem>>[vector<16xi32>], vector<16xi32>, vector<16xi1>
      %add3A_98 = arith.constant 32 : i32
      %add3A_99 = arith.addi %add3A_68, %add3A_98 : i32
      %get3A_100 = arith.index_cast %add3A_99 : i32 to index
      %get3A_101 = tpu.vector_load %arg6[%get3A_100] {strides = array<i32>} : memref<32768xi32, #tpu.memory_space<vmem>>, vector<16xi32>,
      %sub3A_102 = vector.broadcast %mul3A_2 : i32 to vector<16xi32>
      %sub3A_103 = arith.subi %get3A_101, %sub3A_102 : vector<16xi32>
      %lt3A_104 = arith.constant 8192 : i32
      %lt3A_105 = vector.broadcast %lt3A_104 : i32 to vector<16xi32>
      %lt3A_106 = arith.cmpi ult, %sub3A_103, %lt3A_105 : vector<16xi32>
      %unique3A_107, %unique3A_108 = tpu.scan_count mask(%lt3A_106 : vector<16xi1>) value(%sub3A_103 : vector<16xi32>) : vector<16xi1>, vector<16xi32>
      %add3A_109 = arith.constant 32 : i32
      %add3A_110 = arith.addi %add3A_68, %add3A_109 : i32
      %add3A_111 = vector.broadcast %add3A_110 : i32 to vector<16xi32>
      %add3A_112 = arith.addi %add3A_111, %iota3A : vector<16xi32>
      %and3A_113 = arith.andi %unique3A_107, %lt3A_106 : vector<16xi1>
      tpu.vector_store_idx %arg7[%sub3A_103], %add3A_112 masked %and3A_113 : memref<8192xi32, #tpu.memory_space<vmem>>[vector<16xi32>], vector<16xi32>, vector<16xi1>
      %add3A_114 = arith.constant 48 : i32
      %add3A_115 = arith.addi %add3A_68, %add3A_114 : i32
      %get3A_116 = arith.index_cast %add3A_115 : i32 to index
      %get3A_117 = tpu.vector_load %arg6[%get3A_116] {strides = array<i32>} : memref<32768xi32, #tpu.memory_space<vmem>>, vector<16xi32>,
      %sub3A_118 = vector.broadcast %mul3A_2 : i32 to vector<16xi32>
      %sub3A_119 = arith.subi %get3A_117, %sub3A_118 : vector<16xi32>
      %lt3A_120 = arith.constant 8192 : i32
      %lt3A_121 = vector.broadcast %lt3A_120 : i32 to vector<16xi32>
      %lt3A_122 = arith.cmpi ult, %sub3A_119, %lt3A_121 : vector<16xi32>
      %unique3A_123, %unique3A_124 = tpu.scan_count mask(%lt3A_122 : vector<16xi1>) value(%sub3A_119 : vector<16xi32>) : vector<16xi1>, vector<16xi32>
      %add3A_125 = arith.constant 48 : i32
      %add3A_126 = arith.addi %add3A_68, %add3A_125 : i32
      %add3A_127 = vector.broadcast %add3A_126 : i32 to vector<16xi32>
      %add3A_128 = arith.addi %add3A_127, %iota3A : vector<16xi32>
      %and3A_129 = arith.andi %unique3A_123, %lt3A_122 : vector<16xi1>
      tpu.vector_store_idx %arg7[%sub3A_119], %add3A_128 masked %and3A_129 : memref<8192xi32, #tpu.memory_space<vmem>>[vector<16xi32>], vector<16xi32>, vector<16xi1>
    }
    %scan3A_11 = arith.constant 512 : i32
    "tpu.region"() ({
      %run_scoped3A = tpu.sem_alloc : memref<!tpu.dma_semaphore, #tpu.memory_space<semaphore_mem>>
      %dma_start3A = tpu.memref_slice %arg5[%mul3A_2] : memref<262144xi32, #tpu.memory_space<hbm>> -> memref<8192xi32, #tpu.memory_space<hbm>>
      %dma_start3A_64 = tpu.memref_slice %arg5[%mul3A_2] : memref<262144xi32, #tpu.memory_space<hbm>> -> memref<8192xi32, #tpu.memory_space<hbm>>
      tpu.enqueue_dma source(%arg7 : memref<8192xi32, #tpu.memory_space<vmem>>) target(%dma_start3A_64 : memref<8192xi32, #tpu.memory_space<hbm>>) target_semaphore(%run_scoped3A : memref<!tpu.dma_semaphore, #tpu.memory_space<semaphore_mem>>)
      %dma_wait3A = tpu.memref_slice %arg5[%mul3A_2] : memref<262144xi32, #tpu.memory_space<hbm>> -> memref<8192xi32, #tpu.memory_space<hbm>>
      %dma_wait3A_65 = tpu.memref_slice %arg5[%mul3A_2] : memref<262144xi32, #tpu.memory_space<hbm>> -> memref<8192xi32, #tpu.memory_space<hbm>>
      tpu.wait_dma2 semaphore(%run_scoped3A : memref<!tpu.dma_semaphore, #tpu.memory_space<semaphore_mem>>) src(%arg7 : memref<8192xi32, #tpu.memory_space<vmem>>) dst(%dma_wait3A_65 : memref<8192xi32, #tpu.memory_space<hbm>>)
      tpu.yield
    }) : () -> ()
    %scan3A_12 = arith.constant 0 : i32
    %scan3A_13 = arith.constant 0 : i32
    %scan3A_14 = arith.constant 512 : i32
    %scan3A_15 = arith.addi %scan3A_13, %scan3A_14 : i32
    %scan3A_16 = arith.constant 1 : i32
    %scan3A_17 = scf.for %scan3A_64 = %scan3A_13 to %scan3A_15 step %scan3A_16 iter_args(%scan3A_65 = %scan3A_12) -> (i32)  : i32 {
      %mul3A_66 = arith.constant 16 : i32
      %mul3A_67 = arith.muli %scan3A_64, %mul3A_66 : i32
      %get3A = arith.index_cast %mul3A_67 : i32 to index
      %get3A_68 = tpu.vector_load %arg7[%get3A] {strides = array<i32>} : memref<8192xi32, #tpu.memory_space<vmem>>, vector<16xi32>,
      %ge3A = arith.constant 0 : i32
      %ge3A_69 = vector.broadcast %ge3A : i32 to vector<16xi32>
      %ge3A_70 = arith.cmpi sge, %get3A_68, %ge3A_69 : vector<16xi32>
      %swap3A = arith.index_cast %scan3A_65 : i32 to index
      %swap3A_71 = tpu.vector_load %arg8[%swap3A] masked %ge3A_70 {strides = array<i32>} : memref<8320xi32, #tpu.memory_space<vmem>>, vector<16xi32>, vector<16xi1>
      tpu.vector_store %arg8[%swap3A], %get3A_68 masked %ge3A_70 {strides = array<i32>} : memref<8320xi32, #tpu.memory_space<vmem>>, vector<16xi32>, vector<16xi1>
      %mul3A_72 = arith.constant 16 : i32
      %mul3A_73 = arith.muli %scan3A_64, %mul3A_72 : i32
      %add3A_74 = arith.addi %mul3A_2, %mul3A_73 : i32
      %add3A_75 = vector.broadcast %add3A_74 : i32 to vector<16xi32>
      %add3A_76 = arith.addi %add3A_75, %iota3A : vector<16xi32>
      %swap3A_77 = arith.index_cast %scan3A_65 : i32 to index
      %swap3A_78 = tpu.vector_load %arg9[%swap3A_77] masked %ge3A_70 {strides = array<i32>} : memref<8320xi32, #tpu.memory_space<vmem>>, vector<16xi32>, vector<16xi1>
      tpu.vector_store %arg9[%swap3A_77], %add3A_76 masked %ge3A_70 {strides = array<i32>} : memref<8320xi32, #tpu.memory_space<vmem>>, vector<16xi32>, vector<16xi1>
      %all_reduce_population_count3A = tpu.all_reduce %ge3A_70 {dim = 0 : i64, kind = #tpu.reduction_kind<sum>} : vector<16xi1> -> vector<16xi32>
      %slice3A = vector.extract_strided_slice %all_reduce_population_count3A {offsets = [0], sizes = [1], strides = [1]} : vector<16xi32> to vector<1xi32>
      %squeeze3A = vector.extract %slice3A[0] : i32 from vector<1xi32>
      %add3A_79 = arith.addi %scan3A_65, %squeeze3A : i32
      scf.yield %add3A_79 : i32
    }
    %scan3A_18 = arith.constant 512 : i32
    %mul3A_19 = arith.constant 128 : i32
    %mul3A_20 = arith.muli %add3A, %mul3A_19 : i32
    %add3A_21 = arith.constant 262144 : i32
    %add3A_22 = arith.addi %add3A_21, %mul3A_20 : i32
    %add3A_23 = vector.broadcast %add3A_22 : i32 to vector<16xi32>
    %add3A_24 = arith.addi %add3A_23, %iota3A : vector<16xi32>
    %scan3A_25 = arith.constant 0 : i32
    %scan3A_26 = arith.constant 8 : i32
    %scan3A_27 = arith.addi %scan3A_25, %scan3A_26 : i32
    %scan3A_28 = arith.constant 1 : i32
    scf.for %scan3A_64 = %scan3A_25 to %scan3A_27 step %scan3A_28  : i32 {
      %mul3A_65 = arith.constant 16 : i32
      %mul3A_66 = arith.muli %scan3A_64, %mul3A_65 : i32
      %add3A_67 = arith.constant 0 : i32
      %add3A_68 = arith.addi %add3A_67, %mul3A_66 : i32
      %broadcast_in_dim3A = arith.constant 0 : i32
      %broadcast_in_dim3A_69 = vector.broadcast %broadcast_in_dim3A : i32 to vector<16xi32>
      %add3A_70 = arith.addi %scan3A_17, %add3A_68 : i32
      %swap3A = arith.index_cast %add3A_70 : i32 to index
      %swap3A_71 = tpu.vector_load %arg8[%swap3A] {strides = array<i32>} : memref<8320xi32, #tpu.memory_space<vmem>>, vector<16xi32>,
      tpu.vector_store %arg8[%swap3A], %broadcast_in_dim3A_69 {strides = array<i32>} : memref<8320xi32, #tpu.memory_space<vmem>>, vector<16xi32>,
      %add3A_72 = vector.broadcast %add3A_68 : i32 to vector<16xi32>
      %add3A_73 = arith.addi %add3A_24, %add3A_72 : vector<16xi32>
      %add3A_74 = arith.addi %scan3A_17, %add3A_68 : i32
      %swap3A_75 = arith.index_cast %add3A_74 : i32 to index
      %swap3A_76 = tpu.vector_load %arg9[%swap3A_75] {strides = array<i32>} : memref<8320xi32, #tpu.memory_space<vmem>>, vector<16xi32>,
      tpu.vector_store %arg9[%swap3A_75], %add3A_73 {strides = array<i32>} : memref<8320xi32, #tpu.memory_space<vmem>>, vector<16xi32>,
    }
    %scan3A_29 = arith.constant 8 : i32
    %scan3A_30 = arith.constant 0 : i32
    %scan3A_31 = arith.constant 520 : i32
    %scan3A_32 = arith.addi %scan3A_30, %scan3A_31 : i32
    %scan3A_33 = arith.constant 1 : i32
    scf.for %scan3A_64 = %scan3A_30 to %scan3A_32 step %scan3A_33  : i32 {
      %mul3A_65 = arith.constant 1 : i32
      %mul3A_66 = arith.muli %scan3A_64, %mul3A_65 : i32
      %add3A_67 = arith.constant 0 : i32
      %add3A_68 = arith.addi %add3A_67, %mul3A_66 : i32
      %mul3A_69 = arith.constant 16 : i32
      %mul3A_70 = arith.muli %add3A_68, %mul3A_69 : i32
      %get3A = arith.index_cast %mul3A_70 : i32 to index
      %get3A_71 = tpu.vector_load %arg9[%get3A] {strides = array<i32>} : memref<8320xi32, #tpu.memory_space<vmem>>, vector<16xi32>,
      %shift_right_arithmetic3A = arith.constant 3 : i32
      %shift_right_arithmetic3A_72 = arith.shrsi %add3A_68, %shift_right_arithmetic3A : i32
      %and3A_73 = arith.constant 7 : i32
      %and3A_74 = arith.andi %add3A_68, %and3A_73 : i32
      %mul3A_75 = arith.constant 16 : i32
      %mul3A_76 = arith.muli %and3A_74, %mul3A_75 : i32
      %swap3A = arith.index_cast %shift_right_arithmetic3A_72 : i32 to index
      %swap3A_77 = arith.index_cast %mul3A_76 : i32 to index
      %swap3A_78 = tpu.vector_load %arg10[%swap3A, %swap3A_77] {strides = array<i32>} : memref<65x128xi32, #tpu.memory_space<vmem>>, vector<16xi32>,
      tpu.vector_store %arg10[%swap3A, %swap3A_77], %get3A_71 {strides = array<i32>} : memref<65x128xi32, #tpu.memory_space<vmem>>, vector<16xi32>,
    }
    %scan3A_34 = arith.constant 520 : i32
    %add3A_35 = arith.constant 128 : i32
    %add3A_36 = arith.addi %scan3A_17, %add3A_35 : i32
    %sub3A = arith.constant 1 : i32
    %sub3A_37 = arith.subi %add3A_36, %sub3A : i32
    %jit3A = arith.constant 128 : i32
    %div3A = arith.divsi %sub3A_37, %jit3A : i32
    %sign3A = arith.constant 0 : i32
    %sign3A_38 = arith.cmpi sgt, %sub3A_37, %sign3A : i32
    %sign3A_39 = arith.extui %sign3A_38 : i1 to i32
    %sign3A_40 = arith.constant 0 : i32
    %sign3A_41 = arith.cmpi slt, %sub3A_37, %sign3A_40 : i32
    %sign3A_42 = arith.extui %sign3A_41 : i1 to i32
    %sign3A_43 = arith.subi %sign3A_39, %sign3A_42 : i32
    %sign3A_44 = arith.constant 0 : i32
    %sign3A_45 = arith.cmpi sgt, %jit3A, %sign3A_44 : i32
    %sign3A_46 = arith.extui %sign3A_45 : i1 to i32
    %sign3A_47 = arith.constant 0 : i32
    %sign3A_48 = arith.cmpi slt, %jit3A, %sign3A_47 : i32
    %sign3A_49 = arith.extui %sign3A_48 : i1 to i32
    %sign3A_50 = arith.subi %sign3A_46, %sign3A_49 : i32
    %ne3A = arith.cmpi ne, %sign3A_43, %sign3A_50 : i32
    %rem3A = arith.remsi %sub3A_37, %jit3A : i32
    %ne3A_51 = arith.constant 0 : i32
    %ne3A_52 = arith.cmpi ne, %rem3A, %ne3A_51 : i32
    %and3A = arith.andi %ne3A, %ne3A_52 : i1
    %sub3A_53 = arith.constant 1 : i32
    %sub3A_54 = arith.subi %div3A, %sub3A_53 : i32
    %select_n3A = arith.select %and3A, %sub3A_54, %div3A : i32
    %while3A = arith.constant 0 : i32
    %while3A_55 = arith.constant 0 : i32
    %while3A_56 = arith.subi %select_n3A, %while3A_55 : i32
    %while3A_57 = arith.addi %while3A_55, %while3A_56 : i32
    %while3A_58 = arith.constant 1 : i32
    %while3A_59 = arith.divsi %while3A_56, %while3A_58 : i32
    %while3A_60 = arith.muli %while3A_59, %while3A_58 : i32
    %while3A_61 = arith.addi %while3A_55, %while3A_60 : i32
    %while3A_62 = arith.constant 1 : i32
    scf.for %while3A_64 = %while3A_55 to %while3A_61 step %while3A_62  : i32 {
      %mul3A_65 = arith.constant 128 : i32
      %mul3A_66 = arith.muli %while3A_64, %mul3A_65 : i32
      %dma_start3A = tpu.memref_slice %arg8[%mul3A_66] : memref<8320xi32, #tpu.memory_space<vmem>> -> memref<128xi32, #tpu.memory_space<vmem>>
      %dma_start3A_67 = arith.constant 0 : i32
      %dma_start3A_68 = arith.constant 0 : i32
      %dma_start3A_69 = tpu.memref_slice %arg3[%dma_start3A_67, %dma_start3A_68] : memref<32768x128xf32, #tpu.memory_space<hbm>> -> memref<32768x128xf32, #tpu.memory_space<hbm>>
      tpu.enqueue_indirect_dma source(%dma_start3A_69 : memref<32768x128xf32, #tpu.memory_space<hbm>>) target(%arg11 : memref<128x128xf32, #tpu.memory_space<vmem>>) offsets(%dma_start3A : memref<128xi32, #tpu.memory_space<vmem>>) semaphore(%arg12 : memref<!tpu.dma_semaphore, #tpu.memory_space<semaphore_mem>>)
      %dma_wait3A = tpu.memref_slice %arg8[%mul3A_66] : memref<8320xi32, #tpu.memory_space<vmem>> -> memref<128xi32, #tpu.memory_space<vmem>>
      %dma_wait3A_70 = arith.constant 0 : i32
      %dma_wait3A_71 = arith.constant 0 : i32
      %dma_wait3A_72 = tpu.memref_slice %arg3[%dma_wait3A_70, %dma_wait3A_71] : memref<32768x128xf32, #tpu.memory_space<hbm>> -> memref<32768x128xf32, #tpu.memory_space<hbm>>
      tpu.wait_indirect_dma semaphore(%arg12 : memref<!tpu.dma_semaphore, #tpu.memory_space<semaphore_mem>>) src(%dma_wait3A_72 : memref<32768x128xf32, #tpu.memory_space<hbm>>) dst(%arg11 : memref<128x128xf32, #tpu.memory_space<vmem>>)
      %dma_start3A_73 = arith.constant 0 : i32
      %dma_start3A_74 = tpu.memref_slice %arg10[%while3A_64, %dma_start3A_73] : memref<65x128xi32, #tpu.memory_space<vmem>> -> memref<1x128xi32, #tpu.memory_space<vmem>>
      %dma_start3A_75 = tpu.memref_squeeze %dma_start3A_74 : memref<1x128xi32, #tpu.memory_space<vmem>> -> memref<128xi32, #tpu.memory_space<vmem>>
      %dma_start3A_76 = arith.constant 0 : i32
      %dma_start3A_77 = arith.constant 0 : i32
      %dma_start3A_78 = tpu.memref_slice %arg4[%dma_start3A_76, %dma_start3A_77] : memref<266240x128xf32, #tpu.memory_space<hbm>> -> memref<266240x128xf32, #tpu.memory_space<hbm>>
      tpu.enqueue_indirect_dma source(%arg11 : memref<128x128xf32, #tpu.memory_space<vmem>>) target(%dma_start3A_78 : memref<266240x128xf32, #tpu.memory_space<hbm>>) offsets(%dma_start3A_75 : memref<128xi32, #tpu.memory_space<vmem>>) semaphore(%arg12 : memref<!tpu.dma_semaphore, #tpu.memory_space<semaphore_mem>>)
      %dma_wait3A_79 = arith.constant 0 : i32
      %dma_wait3A_80 = tpu.memref_slice %arg10[%while3A_64, %dma_wait3A_79] : memref<65x128xi32, #tpu.memory_space<vmem>> -> memref<1x128xi32, #tpu.memory_space<vmem>>
      %dma_wait3A_81 = tpu.memref_squeeze %dma_wait3A_80 : memref<1x128xi32, #tpu.memory_space<vmem>> -> memref<128xi32, #tpu.memory_space<vmem>>
      %dma_wait3A_82 = arith.constant 0 : i32
      %dma_wait3A_83 = arith.constant 0 : i32
      %dma_wait3A_84 = tpu.memref_slice %arg4[%dma_wait3A_82, %dma_wait3A_83] : memref<266240x128xf32, #tpu.memory_space<hbm>> -> memref<266240x128xf32, #tpu.memory_space<hbm>>
      tpu.wait_indirect_dma semaphore(%arg12 : memref<!tpu.dma_semaphore, #tpu.memory_space<semaphore_mem>>) src(%arg11 : memref<128x128xf32, #tpu.memory_space<vmem>>) dst(%dma_wait3A_84 : memref<266240x128xf32, #tpu.memory_space<hbm>>)
    }
    %while3A_63 = arith.constant 1 : i32
    scf.for %while3A_64 = %while3A_61 to %while3A_57 step %while3A_63  : i32 {
      %mul3A_65 = arith.constant 128 : i32
      %mul3A_66 = arith.muli %while3A_64, %mul3A_65 : i32
      %dma_start3A = tpu.memref_slice %arg8[%mul3A_66] : memref<8320xi32, #tpu.memory_space<vmem>> -> memref<128xi32, #tpu.memory_space<vmem>>
      %dma_start3A_67 = arith.constant 0 : i32
      %dma_start3A_68 = arith.constant 0 : i32
      %dma_start3A_69 = tpu.memref_slice %arg3[%dma_start3A_67, %dma_start3A_68] : memref<32768x128xf32, #tpu.memory_space<hbm>> -> memref<32768x128xf32, #tpu.memory_space<hbm>>
      tpu.enqueue_indirect_dma source(%dma_start3A_69 : memref<32768x128xf32, #tpu.memory_space<hbm>>) target(%arg11 : memref<128x128xf32, #tpu.memory_space<vmem>>) offsets(%dma_start3A : memref<128xi32, #tpu.memory_space<vmem>>) semaphore(%arg12 : memref<!tpu.dma_semaphore, #tpu.memory_space<semaphore_mem>>)
      %dma_wait3A = tpu.memref_slice %arg8[%mul3A_66] : memref<8320xi32, #tpu.memory_space<vmem>> -> memref<128xi32, #tpu.memory_space<vmem>>
      %dma_wait3A_70 = arith.constant 0 : i32
      %dma_wait3A_71 = arith.constant 0 : i32
      %dma_wait3A_72 = tpu.memref_slice %arg3[%dma_wait3A_70, %dma_wait3A_71] : memref<32768x128xf32, #tpu.memory_space<hbm>> -> memref<32768x128xf32, #tpu.memory_space<hbm>>
      tpu.wait_indirect_dma semaphore(%arg12 : memref<!tpu.dma_semaphore, #tpu.memory_space<semaphore_mem>>) src(%dma_wait3A_72 : memref<32768x128xf32, #tpu.memory_space<hbm>>) dst(%arg11 : memref<128x128xf32, #tpu.memory_space<vmem>>)
      %dma_start3A_73 = arith.constant 0 : i32
      %dma_start3A_74 = tpu.memref_slice %arg10[%while3A_64, %dma_start3A_73] : memref<65x128xi32, #tpu.memory_space<vmem>> -> memref<1x128xi32, #tpu.memory_space<vmem>>
      %dma_start3A_75 = tpu.memref_squeeze %dma_start3A_74 : memref<1x128xi32, #tpu.memory_space<vmem>> -> memref<128xi32, #tpu.memory_space<vmem>>
      %dma_start3A_76 = arith.constant 0 : i32
      %dma_start3A_77 = arith.constant 0 : i32
      %dma_start3A_78 = tpu.memref_slice %arg4[%dma_start3A_76, %dma_start3A_77] : memref<266240x128xf32, #tpu.memory_space<hbm>> -> memref<266240x128xf32, #tpu.memory_space<hbm>>
      tpu.enqueue_indirect_dma source(%arg11 : memref<128x128xf32, #tpu.memory_space<vmem>>) target(%dma_start3A_78 : memref<266240x128xf32, #tpu.memory_space<hbm>>) offsets(%dma_start3A_75 : memref<128xi32, #tpu.memory_space<vmem>>) semaphore(%arg12 : memref<!tpu.dma_semaphore, #tpu.memory_space<semaphore_mem>>)
      %dma_wait3A_79 = arith.constant 0 : i32
      %dma_wait3A_80 = tpu.memref_slice %arg10[%while3A_64, %dma_wait3A_79] : memref<65x128xi32, #tpu.memory_space<vmem>> -> memref<1x128xi32, #tpu.memory_space<vmem>>
      %dma_wait3A_81 = tpu.memref_squeeze %dma_wait3A_80 : memref<1x128xi32, #tpu.memory_space<vmem>> -> memref<128xi32, #tpu.memory_space<vmem>>
      %dma_wait3A_82 = arith.constant 0 : i32
      %dma_wait3A_83 = arith.constant 0 : i32
      %dma_wait3A_84 = tpu.memref_slice %arg4[%dma_wait3A_82, %dma_wait3A_83] : memref<266240x128xf32, #tpu.memory_space<hbm>> -> memref<266240x128xf32, #tpu.memory_space<hbm>>
      tpu.wait_indirect_dma semaphore(%arg12 : memref<!tpu.dma_semaphore, #tpu.memory_space<semaphore_mem>>) src(%arg11 : memref<128x128xf32, #tpu.memory_space<vmem>>) dst(%dma_wait3A_84 : memref<266240x128xf32, #tpu.memory_space<hbm>>)
    }
    return
  }
}

module attributes {stable_mosaic.version = 14 : i64} {
  func.func @body(%arg0: i32, %arg1: memref<64x2048xf32, #tpu.memory_space<vmem>>, %arg2: memref<2048x128xf32, #tpu.memory_space<vmem>>) attributes {dimension_semantics = [#tpu.dimension_semantics<arbitrary>], iteration_bounds = array<i64: 16>, scalar_prefetch = 0 : i64, scratch_operands = 0 : i64, tpu.core_type = #tpu.core_type<tc>, window_params = [{transform_indices = @transform_0, window_bounds = array<i64: 64, 2048>}, {transform_indices = @transform_1, window_bounds = array<i64: 2048, 128>}]} {
    %get3A = arith.constant 0 : index
    %get3A_0 = arith.constant 0 : index
    %get3A_1 = vector.load %arg1[%get3A, %get3A_0] : memref<64x2048xf32, #tpu.memory_space<vmem>>, vector<64x2048xf32>
    %transpose3A = tpu.transpose %get3A_1, [1, 0] : vector<64x2048xf32> -> vector<2048x64xf32>
    %swap3A = arith.constant 0 : index
    %swap3A_2 = arith.constant 0 : index
    %swap3A_3 = vector.load %arg2[%swap3A, %swap3A_2] : memref<2048x128xf32, #tpu.memory_space<vmem>>, vector<2048x64xf32>
    tpu.vector_store %arg2[%swap3A, %swap3A_2], %transpose3A {strides = array<i32>} : memref<2048x128xf32, #tpu.memory_space<vmem>>, vector<2048x64xf32>,
    %broadcast_in_dim3A = arith.constant 0.000000e+00 : f32
    %broadcast_in_dim3A_4 = vector.broadcast %broadcast_in_dim3A : f32 to vector<2048x64xf32>
    %swap3A_5 = arith.constant 0 : index
    %swap3A_6 = arith.constant 64 : index
    %swap3A_7 = vector.load %arg2[%swap3A_5, %swap3A_6] : memref<2048x128xf32, #tpu.memory_space<vmem>>, vector<2048x64xf32>
    tpu.vector_store %arg2[%swap3A_5, %swap3A_6], %broadcast_in_dim3A_4 {strides = array<i32>} : memref<2048x128xf32, #tpu.memory_space<vmem>>, vector<2048x64xf32>,
    return
  }
  func.func @transform_0(%arg0: i32) -> (i32, i32) {
    %c0_i32 = arith.constant 0 : i32
    %c0_i32_0 = arith.constant 0 : i32
    return %c0_i32, %arg0 : i32, i32
  }
  func.func @transform_1(%arg0: i32) -> (i32, i32) {
    %c0_i32 = arith.constant 0 : i32
    %c0_i32_0 = arith.constant 0 : i32
    return %arg0, %c0_i32 : i32, i32
  }
}

module attributes {stable_mosaic.version = 14 : i64} {
  func.func @body(%arg0: i32, %arg1: memref<8192x128xf32, #tpu.memory_space<vmem>>, %arg2: memref<1x1x8192xi32, #tpu.memory_space<vmem>>, %arg3: memref<64x16x512xf32, #tpu.memory_space<vmem>>) attributes {dimension_semantics = [#tpu.dimension_semantics<arbitrary>], iteration_bounds = array<i64: 32>, scalar_prefetch = 0 : i64, scratch_operands = 0 : i64, tpu.core_type = #tpu.core_type<tc>, window_params = [{transform_indices = @transform_0, window_bounds = array<i64: 8192, 128>}, {transform_indices = @transform_1, window_bounds = array<i64: 1, 1, 8192>}, {transform_indices = @transform_2, window_bounds = array<i64: 64, 16, 512>}]} {
    %get3A = arith.constant 0 : index
    %get3A_0 = arith.constant 0 : index
    %get3A_1 = vector.load %arg1[%get3A, %get3A_0] : memref<8192x128xf32, #tpu.memory_space<vmem>>, vector<8192x128xf32>
    %get3A_2 = arith.constant 0 : index
    %get3A_3 = arith.constant 0 : index
    %get3A_4 = arith.constant 0 : index
    %get3A_5 = vector.load %arg2[%get3A_2, %get3A_3, %get3A_4] : memref<1x1x8192xi32, #tpu.memory_space<vmem>>, vector<1x1x8192xi32>
    %get3A_6 = vector.shape_cast %get3A_5 : vector<1x1x8192xi32> to vector<8192xi32>
    %slice3A = vector.extract_strided_slice %get3A_6 {offsets = [0], sizes = [512], strides = [1]} : vector<8192xi32> to vector<512xi32>
    %ge3A = arith.constant 0 : i32
    %ge3A_7 = vector.broadcast %ge3A : i32 to vector<512xi32>
    %ge3A_8 = arith.cmpi sge, %slice3A, %ge3A_7 : vector<512xi32>
    %broadcast_in_dim3A = vector.shape_cast %ge3A_8 : vector<512xi1> to vector<1x512xi1>
    %slice3A_9 = vector.extract_strided_slice %get3A_1 {offsets = [0, 0], sizes = [512, 64], strides = [1, 1]} : vector<8192x128xf32> to vector<512x64xf32>
    %transpose3A = tpu.transpose %slice3A_9, [1, 0] : vector<512x64xf32> -> vector<64x512xf32>
    %jit3A = arith.constant 0.000000e+00 : f32
    %broadcast_in_dim3A_10 = vector.shape_cast %broadcast_in_dim3A : vector<1x512xi1> to vector<1x512xi1>
    %broadcast_in_dim3A_11 = vector.broadcast %broadcast_in_dim3A_10 : vector<1x512xi1> to vector<64x512xi1>
    %broadcast_in_dim3A_12 = vector.broadcast %jit3A : f32 to vector<64x512xf32>
    %select_n3A = arith.select %broadcast_in_dim3A_11, %transpose3A, %broadcast_in_dim3A_12 : vector<64x512xi1>, vector<64x512xf32>
    %swap3A = arith.constant 0 : index
    %swap3A_13 = arith.constant 0 : index
    %swap3A_14 = arith.constant 0 : index
    %swap3A_15 = vector.load %arg3[%swap3A, %swap3A_13, %swap3A_14] : memref<64x16x512xf32, #tpu.memory_space<vmem>>, vector<64x1x512xf32>
    %swap3A_16 = vector.shape_cast %swap3A_15 : vector<64x1x512xf32> to vector<64x512xf32>
    %swap3A_17 = vector.shape_cast %select_n3A : vector<64x512xf32> to vector<64x1x512xf32>
    tpu.vector_store %arg3[%swap3A, %swap3A_13, %swap3A_14], %swap3A_17 {strides = array<i32>} : memref<64x16x512xf32, #tpu.memory_space<vmem>>, vector<64x1x512xf32>,
    %slice3A_18 = vector.extract_strided_slice %get3A_6 {offsets = [512], sizes = [512], strides = [1]} : vector<8192xi32> to vector<512xi32>
    %ge3A_19 = arith.constant 0 : i32
    %ge3A_20 = vector.broadcast %ge3A_19 : i32 to vector<512xi32>
    %ge3A_21 = arith.cmpi sge, %slice3A_18, %ge3A_20 : vector<512xi32>
    %broadcast_in_dim3A_22 = vector.shape_cast %ge3A_21 : vector<512xi1> to vector<1x512xi1>
    %slice3A_23 = vector.extract_strided_slice %get3A_1 {offsets = [512, 0], sizes = [512, 64], strides = [1, 1]} : vector<8192x128xf32> to vector<512x64xf32>
    %transpose3A_24 = tpu.transpose %slice3A_23, [1, 0] : vector<512x64xf32> -> vector<64x512xf32>
    %jit3A_25 = arith.constant 0.000000e+00 : f32
    %broadcast_in_dim3A_26 = vector.shape_cast %broadcast_in_dim3A_22 : vector<1x512xi1> to vector<1x512xi1>
    %broadcast_in_dim3A_27 = vector.broadcast %broadcast_in_dim3A_26 : vector<1x512xi1> to vector<64x512xi1>
    %broadcast_in_dim3A_28 = vector.broadcast %jit3A_25 : f32 to vector<64x512xf32>
    %select_n3A_29 = arith.select %broadcast_in_dim3A_27, %transpose3A_24, %broadcast_in_dim3A_28 : vector<64x512xi1>, vector<64x512xf32>
    %swap3A_30 = arith.constant 0 : index
    %swap3A_31 = arith.constant 1 : index
    %swap3A_32 = arith.constant 0 : index
    %swap3A_33 = vector.load %arg3[%swap3A_30, %swap3A_31, %swap3A_32] : memref<64x16x512xf32, #tpu.memory_space<vmem>>, vector<64x1x512xf32>
    %swap3A_34 = vector.shape_cast %swap3A_33 : vector<64x1x512xf32> to vector<64x512xf32>
    %swap3A_35 = vector.shape_cast %select_n3A_29 : vector<64x512xf32> to vector<64x1x512xf32>
    tpu.vector_store %arg3[%swap3A_30, %swap3A_31, %swap3A_32], %swap3A_35 {strides = array<i32>} : memref<64x16x512xf32, #tpu.memory_space<vmem>>, vector<64x1x512xf32>,
    %slice3A_36 = vector.extract_strided_slice %get3A_6 {offsets = [1024], sizes = [512], strides = [1]} : vector<8192xi32> to vector<512xi32>
    %ge3A_37 = arith.constant 0 : i32
    %ge3A_38 = vector.broadcast %ge3A_37 : i32 to vector<512xi32>
    %ge3A_39 = arith.cmpi sge, %slice3A_36, %ge3A_38 : vector<512xi32>
    %broadcast_in_dim3A_40 = vector.shape_cast %ge3A_39 : vector<512xi1> to vector<1x512xi1>
    %slice3A_41 = vector.extract_strided_slice %get3A_1 {offsets = [1024, 0], sizes = [512, 64], strides = [1, 1]} : vector<8192x128xf32> to vector<512x64xf32>
    %transpose3A_42 = tpu.transpose %slice3A_41, [1, 0] : vector<512x64xf32> -> vector<64x512xf32>
    %jit3A_43 = arith.constant 0.000000e+00 : f32
    %broadcast_in_dim3A_44 = vector.shape_cast %broadcast_in_dim3A_40 : vector<1x512xi1> to vector<1x512xi1>
    %broadcast_in_dim3A_45 = vector.broadcast %broadcast_in_dim3A_44 : vector<1x512xi1> to vector<64x512xi1>
    %broadcast_in_dim3A_46 = vector.broadcast %jit3A_43 : f32 to vector<64x512xf32>
    %select_n3A_47 = arith.select %broadcast_in_dim3A_45, %transpose3A_42, %broadcast_in_dim3A_46 : vector<64x512xi1>, vector<64x512xf32>
    %swap3A_48 = arith.constant 0 : index
    %swap3A_49 = arith.constant 2 : index
    %swap3A_50 = arith.constant 0 : index
    %swap3A_51 = vector.load %arg3[%swap3A_48, %swap3A_49, %swap3A_50] : memref<64x16x512xf32, #tpu.memory_space<vmem>>, vector<64x1x512xf32>
    %swap3A_52 = vector.shape_cast %swap3A_51 : vector<64x1x512xf32> to vector<64x512xf32>
    %swap3A_53 = vector.shape_cast %select_n3A_47 : vector<64x512xf32> to vector<64x1x512xf32>
    tpu.vector_store %arg3[%swap3A_48, %swap3A_49, %swap3A_50], %swap3A_53 {strides = array<i32>} : memref<64x16x512xf32, #tpu.memory_space<vmem>>, vector<64x1x512xf32>,
    %slice3A_54 = vector.extract_strided_slice %get3A_6 {offsets = [1536], sizes = [512], strides = [1]} : vector<8192xi32> to vector<512xi32>
    %ge3A_55 = arith.constant 0 : i32
    %ge3A_56 = vector.broadcast %ge3A_55 : i32 to vector<512xi32>
    %ge3A_57 = arith.cmpi sge, %slice3A_54, %ge3A_56 : vector<512xi32>
    %broadcast_in_dim3A_58 = vector.shape_cast %ge3A_57 : vector<512xi1> to vector<1x512xi1>
    %slice3A_59 = vector.extract_strided_slice %get3A_1 {offsets = [1536, 0], sizes = [512, 64], strides = [1, 1]} : vector<8192x128xf32> to vector<512x64xf32>
    %transpose3A_60 = tpu.transpose %slice3A_59, [1, 0] : vector<512x64xf32> -> vector<64x512xf32>
    %jit3A_61 = arith.constant 0.000000e+00 : f32
    %broadcast_in_dim3A_62 = vector.shape_cast %broadcast_in_dim3A_58 : vector<1x512xi1> to vector<1x512xi1>
    %broadcast_in_dim3A_63 = vector.broadcast %broadcast_in_dim3A_62 : vector<1x512xi1> to vector<64x512xi1>
    %broadcast_in_dim3A_64 = vector.broadcast %jit3A_61 : f32 to vector<64x512xf32>
    %select_n3A_65 = arith.select %broadcast_in_dim3A_63, %transpose3A_60, %broadcast_in_dim3A_64 : vector<64x512xi1>, vector<64x512xf32>
    %swap3A_66 = arith.constant 0 : index
    %swap3A_67 = arith.constant 3 : index
    %swap3A_68 = arith.constant 0 : index
    %swap3A_69 = vector.load %arg3[%swap3A_66, %swap3A_67, %swap3A_68] : memref<64x16x512xf32, #tpu.memory_space<vmem>>, vector<64x1x512xf32>
    %swap3A_70 = vector.shape_cast %swap3A_69 : vector<64x1x512xf32> to vector<64x512xf32>
    %swap3A_71 = vector.shape_cast %select_n3A_65 : vector<64x512xf32> to vector<64x1x512xf32>
    tpu.vector_store %arg3[%swap3A_66, %swap3A_67, %swap3A_68], %swap3A_71 {strides = array<i32>} : memref<64x16x512xf32, #tpu.memory_space<vmem>>, vector<64x1x512xf32>,
    %slice3A_72 = vector.extract_strided_slice %get3A_6 {offsets = [2048], sizes = [512], strides = [1]} : vector<8192xi32> to vector<512xi32>
    %ge3A_73 = arith.constant 0 : i32
    %ge3A_74 = vector.broadcast %ge3A_73 : i32 to vector<512xi32>
    %ge3A_75 = arith.cmpi sge, %slice3A_72, %ge3A_74 : vector<512xi32>
    %broadcast_in_dim3A_76 = vector.shape_cast %ge3A_75 : vector<512xi1> to vector<1x512xi1>
    %slice3A_77 = vector.extract_strided_slice %get3A_1 {offsets = [2048, 0], sizes = [512, 64], strides = [1, 1]} : vector<8192x128xf32> to vector<512x64xf32>
    %transpose3A_78 = tpu.transpose %slice3A_77, [1, 0] : vector<512x64xf32> -> vector<64x512xf32>
    %jit3A_79 = arith.constant 0.000000e+00 : f32
    %broadcast_in_dim3A_80 = vector.shape_cast %broadcast_in_dim3A_76 : vector<1x512xi1> to vector<1x512xi1>
    %broadcast_in_dim3A_81 = vector.broadcast %broadcast_in_dim3A_80 : vector<1x512xi1> to vector<64x512xi1>
    %broadcast_in_dim3A_82 = vector.broadcast %jit3A_79 : f32 to vector<64x512xf32>
    %select_n3A_83 = arith.select %broadcast_in_dim3A_81, %transpose3A_78, %broadcast_in_dim3A_82 : vector<64x512xi1>, vector<64x512xf32>
    %swap3A_84 = arith.constant 0 : index
    %swap3A_85 = arith.constant 4 : index
    %swap3A_86 = arith.constant 0 : index
    %swap3A_87 = vector.load %arg3[%swap3A_84, %swap3A_85, %swap3A_86] : memref<64x16x512xf32, #tpu.memory_space<vmem>>, vector<64x1x512xf32>
    %swap3A_88 = vector.shape_cast %swap3A_87 : vector<64x1x512xf32> to vector<64x512xf32>
    %swap3A_89 = vector.shape_cast %select_n3A_83 : vector<64x512xf32> to vector<64x1x512xf32>
    tpu.vector_store %arg3[%swap3A_84, %swap3A_85, %swap3A_86], %swap3A_89 {strides = array<i32>} : memref<64x16x512xf32, #tpu.memory_space<vmem>>, vector<64x1x512xf32>,
    %slice3A_90 = vector.extract_strided_slice %get3A_6 {offsets = [2560], sizes = [512], strides = [1]} : vector<8192xi32> to vector<512xi32>
    %ge3A_91 = arith.constant 0 : i32
    %ge3A_92 = vector.broadcast %ge3A_91 : i32 to vector<512xi32>
    %ge3A_93 = arith.cmpi sge, %slice3A_90, %ge3A_92 : vector<512xi32>
    %broadcast_in_dim3A_94 = vector.shape_cast %ge3A_93 : vector<512xi1> to vector<1x512xi1>
    %slice3A_95 = vector.extract_strided_slice %get3A_1 {offsets = [2560, 0], sizes = [512, 64], strides = [1, 1]} : vector<8192x128xf32> to vector<512x64xf32>
    %transpose3A_96 = tpu.transpose %slice3A_95, [1, 0] : vector<512x64xf32> -> vector<64x512xf32>
    %jit3A_97 = arith.constant 0.000000e+00 : f32
    %broadcast_in_dim3A_98 = vector.shape_cast %broadcast_in_dim3A_94 : vector<1x512xi1> to vector<1x512xi1>
    %broadcast_in_dim3A_99 = vector.broadcast %broadcast_in_dim3A_98 : vector<1x512xi1> to vector<64x512xi1>
    %broadcast_in_dim3A_100 = vector.broadcast %jit3A_97 : f32 to vector<64x512xf32>
    %select_n3A_101 = arith.select %broadcast_in_dim3A_99, %transpose3A_96, %broadcast_in_dim3A_100 : vector<64x512xi1>, vector<64x512xf32>
    %swap3A_102 = arith.constant 0 : index
    %swap3A_103 = arith.constant 5 : index
    %swap3A_104 = arith.constant 0 : index
    %swap3A_105 = vector.load %arg3[%swap3A_102, %swap3A_103, %swap3A_104] : memref<64x16x512xf32, #tpu.memory_space<vmem>>, vector<64x1x512xf32>
    %swap3A_106 = vector.shape_cast %swap3A_105 : vector<64x1x512xf32> to vector<64x512xf32>
    %swap3A_107 = vector.shape_cast %select_n3A_101 : vector<64x512xf32> to vector<64x1x512xf32>
    tpu.vector_store %arg3[%swap3A_102, %swap3A_103, %swap3A_104], %swap3A_107 {strides = array<i32>} : memref<64x16x512xf32, #tpu.memory_space<vmem>>, vector<64x1x512xf32>,
    %slice3A_108 = vector.extract_strided_slice %get3A_6 {offsets = [3072], sizes = [512], strides = [1]} : vector<8192xi32> to vector<512xi32>
    %ge3A_109 = arith.constant 0 : i32
    %ge3A_110 = vector.broadcast %ge3A_109 : i32 to vector<512xi32>
    %ge3A_111 = arith.cmpi sge, %slice3A_108, %ge3A_110 : vector<512xi32>
    %broadcast_in_dim3A_112 = vector.shape_cast %ge3A_111 : vector<512xi1> to vector<1x512xi1>
    %slice3A_113 = vector.extract_strided_slice %get3A_1 {offsets = [3072, 0], sizes = [512, 64], strides = [1, 1]} : vector<8192x128xf32> to vector<512x64xf32>
    %transpose3A_114 = tpu.transpose %slice3A_113, [1, 0] : vector<512x64xf32> -> vector<64x512xf32>
    %jit3A_115 = arith.constant 0.000000e+00 : f32
    %broadcast_in_dim3A_116 = vector.shape_cast %broadcast_in_dim3A_112 : vector<1x512xi1> to vector<1x512xi1>
    %broadcast_in_dim3A_117 = vector.broadcast %broadcast_in_dim3A_116 : vector<1x512xi1> to vector<64x512xi1>
    %broadcast_in_dim3A_118 = vector.broadcast %jit3A_115 : f32 to vector<64x512xf32>
    %select_n3A_119 = arith.select %broadcast_in_dim3A_117, %transpose3A_114, %broadcast_in_dim3A_118 : vector<64x512xi1>, vector<64x512xf32>
    %swap3A_120 = arith.constant 0 : index
    %swap3A_121 = arith.constant 6 : index
    %swap3A_122 = arith.constant 0 : index
    %swap3A_123 = vector.load %arg3[%swap3A_120, %swap3A_121, %swap3A_122] : memref<64x16x512xf32, #tpu.memory_space<vmem>>, vector<64x1x512xf32>
    %swap3A_124 = vector.shape_cast %swap3A_123 : vector<64x1x512xf32> to vector<64x512xf32>
    %swap3A_125 = vector.shape_cast %select_n3A_119 : vector<64x512xf32> to vector<64x1x512xf32>
    tpu.vector_store %arg3[%swap3A_120, %swap3A_121, %swap3A_122], %swap3A_125 {strides = array<i32>} : memref<64x16x512xf32, #tpu.memory_space<vmem>>, vector<64x1x512xf32>,
    %slice3A_126 = vector.extract_strided_slice %get3A_6 {offsets = [3584], sizes = [512], strides = [1]} : vector<8192xi32> to vector<512xi32>
    %ge3A_127 = arith.constant 0 : i32
    %ge3A_128 = vector.broadcast %ge3A_127 : i32 to vector<512xi32>
    %ge3A_129 = arith.cmpi sge, %slice3A_126, %ge3A_128 : vector<512xi32>
    %broadcast_in_dim3A_130 = vector.shape_cast %ge3A_129 : vector<512xi1> to vector<1x512xi1>
    %slice3A_131 = vector.extract_strided_slice %get3A_1 {offsets = [3584, 0], sizes = [512, 64], strides = [1, 1]} : vector<8192x128xf32> to vector<512x64xf32>
    %transpose3A_132 = tpu.transpose %slice3A_131, [1, 0] : vector<512x64xf32> -> vector<64x512xf32>
    %jit3A_133 = arith.constant 0.000000e+00 : f32
    %broadcast_in_dim3A_134 = vector.shape_cast %broadcast_in_dim3A_130 : vector<1x512xi1> to vector<1x512xi1>
    %broadcast_in_dim3A_135 = vector.broadcast %broadcast_in_dim3A_134 : vector<1x512xi1> to vector<64x512xi1>
    %broadcast_in_dim3A_136 = vector.broadcast %jit3A_133 : f32 to vector<64x512xf32>
    %select_n3A_137 = arith.select %broadcast_in_dim3A_135, %transpose3A_132, %broadcast_in_dim3A_136 : vector<64x512xi1>, vector<64x512xf32>
    %swap3A_138 = arith.constant 0 : index
    %swap3A_139 = arith.constant 7 : index
    %swap3A_140 = arith.constant 0 : index
    %swap3A_141 = vector.load %arg3[%swap3A_138, %swap3A_139, %swap3A_140] : memref<64x16x512xf32, #tpu.memory_space<vmem>>, vector<64x1x512xf32>
    %swap3A_142 = vector.shape_cast %swap3A_141 : vector<64x1x512xf32> to vector<64x512xf32>
    %swap3A_143 = vector.shape_cast %select_n3A_137 : vector<64x512xf32> to vector<64x1x512xf32>
    tpu.vector_store %arg3[%swap3A_138, %swap3A_139, %swap3A_140], %swap3A_143 {strides = array<i32>} : memref<64x16x512xf32, #tpu.memory_space<vmem>>, vector<64x1x512xf32>,
    %slice3A_144 = vector.extract_strided_slice %get3A_6 {offsets = [4096], sizes = [512], strides = [1]} : vector<8192xi32> to vector<512xi32>
    %ge3A_145 = arith.constant 0 : i32
    %ge3A_146 = vector.broadcast %ge3A_145 : i32 to vector<512xi32>
    %ge3A_147 = arith.cmpi sge, %slice3A_144, %ge3A_146 : vector<512xi32>
    %broadcast_in_dim3A_148 = vector.shape_cast %ge3A_147 : vector<512xi1> to vector<1x512xi1>
    %slice3A_149 = vector.extract_strided_slice %get3A_1 {offsets = [4096, 0], sizes = [512, 64], strides = [1, 1]} : vector<8192x128xf32> to vector<512x64xf32>
    %transpose3A_150 = tpu.transpose %slice3A_149, [1, 0] : vector<512x64xf32> -> vector<64x512xf32>
    %jit3A_151 = arith.constant 0.000000e+00 : f32
    %broadcast_in_dim3A_152 = vector.shape_cast %broadcast_in_dim3A_148 : vector<1x512xi1> to vector<1x512xi1>
    %broadcast_in_dim3A_153 = vector.broadcast %broadcast_in_dim3A_152 : vector<1x512xi1> to vector<64x512xi1>
    %broadcast_in_dim3A_154 = vector.broadcast %jit3A_151 : f32 to vector<64x512xf32>
    %select_n3A_155 = arith.select %broadcast_in_dim3A_153, %transpose3A_150, %broadcast_in_dim3A_154 : vector<64x512xi1>, vector<64x512xf32>
    %swap3A_156 = arith.constant 0 : index
    %swap3A_157 = arith.constant 8 : index
    %swap3A_158 = arith.constant 0 : index
    %swap3A_159 = vector.load %arg3[%swap3A_156, %swap3A_157, %swap3A_158] : memref<64x16x512xf32, #tpu.memory_space<vmem>>, vector<64x1x512xf32>
    %swap3A_160 = vector.shape_cast %swap3A_159 : vector<64x1x512xf32> to vector<64x512xf32>
    %swap3A_161 = vector.shape_cast %select_n3A_155 : vector<64x512xf32> to vector<64x1x512xf32>
    tpu.vector_store %arg3[%swap3A_156, %swap3A_157, %swap3A_158], %swap3A_161 {strides = array<i32>} : memref<64x16x512xf32, #tpu.memory_space<vmem>>, vector<64x1x512xf32>,
    %slice3A_162 = vector.extract_strided_slice %get3A_6 {offsets = [4608], sizes = [512], strides = [1]} : vector<8192xi32> to vector<512xi32>
    %ge3A_163 = arith.constant 0 : i32
    %ge3A_164 = vector.broadcast %ge3A_163 : i32 to vector<512xi32>
    %ge3A_165 = arith.cmpi sge, %slice3A_162, %ge3A_164 : vector<512xi32>
    %broadcast_in_dim3A_166 = vector.shape_cast %ge3A_165 : vector<512xi1> to vector<1x512xi1>
    %slice3A_167 = vector.extract_strided_slice %get3A_1 {offsets = [4608, 0], sizes = [512, 64], strides = [1, 1]} : vector<8192x128xf32> to vector<512x64xf32>
    %transpose3A_168 = tpu.transpose %slice3A_167, [1, 0] : vector<512x64xf32> -> vector<64x512xf32>
    %jit3A_169 = arith.constant 0.000000e+00 : f32
    %broadcast_in_dim3A_170 = vector.shape_cast %broadcast_in_dim3A_166 : vector<1x512xi1> to vector<1x512xi1>
    %broadcast_in_dim3A_171 = vector.broadcast %broadcast_in_dim3A_170 : vector<1x512xi1> to vector<64x512xi1>
    %broadcast_in_dim3A_172 = vector.broadcast %jit3A_169 : f32 to vector<64x512xf32>
    %select_n3A_173 = arith.select %broadcast_in_dim3A_171, %transpose3A_168, %broadcast_in_dim3A_172 : vector<64x512xi1>, vector<64x512xf32>
    %swap3A_174 = arith.constant 0 : index
    %swap3A_175 = arith.constant 9 : index
    %swap3A_176 = arith.constant 0 : index
    %swap3A_177 = vector.load %arg3[%swap3A_174, %swap3A_175, %swap3A_176] : memref<64x16x512xf32, #tpu.memory_space<vmem>>, vector<64x1x512xf32>
    %swap3A_178 = vector.shape_cast %swap3A_177 : vector<64x1x512xf32> to vector<64x512xf32>
    %swap3A_179 = vector.shape_cast %select_n3A_173 : vector<64x512xf32> to vector<64x1x512xf32>
    tpu.vector_store %arg3[%swap3A_174, %swap3A_175, %swap3A_176], %swap3A_179 {strides = array<i32>} : memref<64x16x512xf32, #tpu.memory_space<vmem>>, vector<64x1x512xf32>,
    %slice3A_180 = vector.extract_strided_slice %get3A_6 {offsets = [5120], sizes = [512], strides = [1]} : vector<8192xi32> to vector<512xi32>
    %ge3A_181 = arith.constant 0 : i32
    %ge3A_182 = vector.broadcast %ge3A_181 : i32 to vector<512xi32>
    %ge3A_183 = arith.cmpi sge, %slice3A_180, %ge3A_182 : vector<512xi32>
    %broadcast_in_dim3A_184 = vector.shape_cast %ge3A_183 : vector<512xi1> to vector<1x512xi1>
    %slice3A_185 = vector.extract_strided_slice %get3A_1 {offsets = [5120, 0], sizes = [512, 64], strides = [1, 1]} : vector<8192x128xf32> to vector<512x64xf32>
    %transpose3A_186 = tpu.transpose %slice3A_185, [1, 0] : vector<512x64xf32> -> vector<64x512xf32>
    %jit3A_187 = arith.constant 0.000000e+00 : f32
    %broadcast_in_dim3A_188 = vector.shape_cast %broadcast_in_dim3A_184 : vector<1x512xi1> to vector<1x512xi1>
    %broadcast_in_dim3A_189 = vector.broadcast %broadcast_in_dim3A_188 : vector<1x512xi1> to vector<64x512xi1>
    %broadcast_in_dim3A_190 = vector.broadcast %jit3A_187 : f32 to vector<64x512xf32>
    %select_n3A_191 = arith.select %broadcast_in_dim3A_189, %transpose3A_186, %broadcast_in_dim3A_190 : vector<64x512xi1>, vector<64x512xf32>
    %swap3A_192 = arith.constant 0 : index
    %swap3A_193 = arith.constant 10 : index
    %swap3A_194 = arith.constant 0 : index
    %swap3A_195 = vector.load %arg3[%swap3A_192, %swap3A_193, %swap3A_194] : memref<64x16x512xf32, #tpu.memory_space<vmem>>, vector<64x1x512xf32>
    %swap3A_196 = vector.shape_cast %swap3A_195 : vector<64x1x512xf32> to vector<64x512xf32>
    %swap3A_197 = vector.shape_cast %select_n3A_191 : vector<64x512xf32> to vector<64x1x512xf32>
    tpu.vector_store %arg3[%swap3A_192, %swap3A_193, %swap3A_194], %swap3A_197 {strides = array<i32>} : memref<64x16x512xf32, #tpu.memory_space<vmem>>, vector<64x1x512xf32>,
    %slice3A_198 = vector.extract_strided_slice %get3A_6 {offsets = [5632], sizes = [512], strides = [1]} : vector<8192xi32> to vector<512xi32>
    %ge3A_199 = arith.constant 0 : i32
    %ge3A_200 = vector.broadcast %ge3A_199 : i32 to vector<512xi32>
    %ge3A_201 = arith.cmpi sge, %slice3A_198, %ge3A_200 : vector<512xi32>
    %broadcast_in_dim3A_202 = vector.shape_cast %ge3A_201 : vector<512xi1> to vector<1x512xi1>
    %slice3A_203 = vector.extract_strided_slice %get3A_1 {offsets = [5632, 0], sizes = [512, 64], strides = [1, 1]} : vector<8192x128xf32> to vector<512x64xf32>
    %transpose3A_204 = tpu.transpose %slice3A_203, [1, 0] : vector<512x64xf32> -> vector<64x512xf32>
    %jit3A_205 = arith.constant 0.000000e+00 : f32
    %broadcast_in_dim3A_206 = vector.shape_cast %broadcast_in_dim3A_202 : vector<1x512xi1> to vector<1x512xi1>
    %broadcast_in_dim3A_207 = vector.broadcast %broadcast_in_dim3A_206 : vector<1x512xi1> to vector<64x512xi1>
    %broadcast_in_dim3A_208 = vector.broadcast %jit3A_205 : f32 to vector<64x512xf32>
    %select_n3A_209 = arith.select %broadcast_in_dim3A_207, %transpose3A_204, %broadcast_in_dim3A_208 : vector<64x512xi1>, vector<64x512xf32>
    %swap3A_210 = arith.constant 0 : index
    %swap3A_211 = arith.constant 11 : index
    %swap3A_212 = arith.constant 0 : index
    %swap3A_213 = vector.load %arg3[%swap3A_210, %swap3A_211, %swap3A_212] : memref<64x16x512xf32, #tpu.memory_space<vmem>>, vector<64x1x512xf32>
    %swap3A_214 = vector.shape_cast %swap3A_213 : vector<64x1x512xf32> to vector<64x512xf32>
    %swap3A_215 = vector.shape_cast %select_n3A_209 : vector<64x512xf32> to vector<64x1x512xf32>
    tpu.vector_store %arg3[%swap3A_210, %swap3A_211, %swap3A_212], %swap3A_215 {strides = array<i32>} : memref<64x16x512xf32, #tpu.memory_space<vmem>>, vector<64x1x512xf32>,
    %slice3A_216 = vector.extract_strided_slice %get3A_6 {offsets = [6144], sizes = [512], strides = [1]} : vector<8192xi32> to vector<512xi32>
    %ge3A_217 = arith.constant 0 : i32
    %ge3A_218 = vector.broadcast %ge3A_217 : i32 to vector<512xi32>
    %ge3A_219 = arith.cmpi sge, %slice3A_216, %ge3A_218 : vector<512xi32>
    %broadcast_in_dim3A_220 = vector.shape_cast %ge3A_219 : vector<512xi1> to vector<1x512xi1>
    %slice3A_221 = vector.extract_strided_slice %get3A_1 {offsets = [6144, 0], sizes = [512, 64], strides = [1, 1]} : vector<8192x128xf32> to vector<512x64xf32>
    %transpose3A_222 = tpu.transpose %slice3A_221, [1, 0] : vector<512x64xf32> -> vector<64x512xf32>
    %jit3A_223 = arith.constant 0.000000e+00 : f32
    %broadcast_in_dim3A_224 = vector.shape_cast %broadcast_in_dim3A_220 : vector<1x512xi1> to vector<1x512xi1>
    %broadcast_in_dim3A_225 = vector.broadcast %broadcast_in_dim3A_224 : vector<1x512xi1> to vector<64x512xi1>
    %broadcast_in_dim3A_226 = vector.broadcast %jit3A_223 : f32 to vector<64x512xf32>
    %select_n3A_227 = arith.select %broadcast_in_dim3A_225, %transpose3A_222, %broadcast_in_dim3A_226 : vector<64x512xi1>, vector<64x512xf32>
    %swap3A_228 = arith.constant 0 : index
    %swap3A_229 = arith.constant 12 : index
    %swap3A_230 = arith.constant 0 : index
    %swap3A_231 = vector.load %arg3[%swap3A_228, %swap3A_229, %swap3A_230] : memref<64x16x512xf32, #tpu.memory_space<vmem>>, vector<64x1x512xf32>
    %swap3A_232 = vector.shape_cast %swap3A_231 : vector<64x1x512xf32> to vector<64x512xf32>
    %swap3A_233 = vector.shape_cast %select_n3A_227 : vector<64x512xf32> to vector<64x1x512xf32>
    tpu.vector_store %arg3[%swap3A_228, %swap3A_229, %swap3A_230], %swap3A_233 {strides = array<i32>} : memref<64x16x512xf32, #tpu.memory_space<vmem>>, vector<64x1x512xf32>,
    %slice3A_234 = vector.extract_strided_slice %get3A_6 {offsets = [6656], sizes = [512], strides = [1]} : vector<8192xi32> to vector<512xi32>
    %ge3A_235 = arith.constant 0 : i32
    %ge3A_236 = vector.broadcast %ge3A_235 : i32 to vector<512xi32>
    %ge3A_237 = arith.cmpi sge, %slice3A_234, %ge3A_236 : vector<512xi32>
    %broadcast_in_dim3A_238 = vector.shape_cast %ge3A_237 : vector<512xi1> to vector<1x512xi1>
    %slice3A_239 = vector.extract_strided_slice %get3A_1 {offsets = [6656, 0], sizes = [512, 64], strides = [1, 1]} : vector<8192x128xf32> to vector<512x64xf32>
    %transpose3A_240 = tpu.transpose %slice3A_239, [1, 0] : vector<512x64xf32> -> vector<64x512xf32>
    %jit3A_241 = arith.constant 0.000000e+00 : f32
    %broadcast_in_dim3A_242 = vector.shape_cast %broadcast_in_dim3A_238 : vector<1x512xi1> to vector<1x512xi1>
    %broadcast_in_dim3A_243 = vector.broadcast %broadcast_in_dim3A_242 : vector<1x512xi1> to vector<64x512xi1>
    %broadcast_in_dim3A_244 = vector.broadcast %jit3A_241 : f32 to vector<64x512xf32>
    %select_n3A_245 = arith.select %broadcast_in_dim3A_243, %transpose3A_240, %broadcast_in_dim3A_244 : vector<64x512xi1>, vector<64x512xf32>
    %swap3A_246 = arith.constant 0 : index
    %swap3A_247 = arith.constant 13 : index
    %swap3A_248 = arith.constant 0 : index
    %swap3A_249 = vector.load %arg3[%swap3A_246, %swap3A_247, %swap3A_248] : memref<64x16x512xf32, #tpu.memory_space<vmem>>, vector<64x1x512xf32>
    %swap3A_250 = vector.shape_cast %swap3A_249 : vector<64x1x512xf32> to vector<64x512xf32>
    %swap3A_251 = vector.shape_cast %select_n3A_245 : vector<64x512xf32> to vector<64x1x512xf32>
    tpu.vector_store %arg3[%swap3A_246, %swap3A_247, %swap3A_248], %swap3A_251 {strides = array<i32>} : memref<64x16x512xf32, #tpu.memory_space<vmem>>, vector<64x1x512xf32>,
    %slice3A_252 = vector.extract_strided_slice %get3A_6 {offsets = [7168], sizes = [512], strides = [1]} : vector<8192xi32> to vector<512xi32>
    %ge3A_253 = arith.constant 0 : i32
    %ge3A_254 = vector.broadcast %ge3A_253 : i32 to vector<512xi32>
    %ge3A_255 = arith.cmpi sge, %slice3A_252, %ge3A_254 : vector<512xi32>
    %broadcast_in_dim3A_256 = vector.shape_cast %ge3A_255 : vector<512xi1> to vector<1x512xi1>
    %slice3A_257 = vector.extract_strided_slice %get3A_1 {offsets = [7168, 0], sizes = [512, 64], strides = [1, 1]} : vector<8192x128xf32> to vector<512x64xf32>
    %transpose3A_258 = tpu.transpose %slice3A_257, [1, 0] : vector<512x64xf32> -> vector<64x512xf32>
    %jit3A_259 = arith.constant 0.000000e+00 : f32
    %broadcast_in_dim3A_260 = vector.shape_cast %broadcast_in_dim3A_256 : vector<1x512xi1> to vector<1x512xi1>
    %broadcast_in_dim3A_261 = vector.broadcast %broadcast_in_dim3A_260 : vector<1x512xi1> to vector<64x512xi1>
    %broadcast_in_dim3A_262 = vector.broadcast %jit3A_259 : f32 to vector<64x512xf32>
    %select_n3A_263 = arith.select %broadcast_in_dim3A_261, %transpose3A_258, %broadcast_in_dim3A_262 : vector<64x512xi1>, vector<64x512xf32>
    %swap3A_264 = arith.constant 0 : index
    %swap3A_265 = arith.constant 14 : index
    %swap3A_266 = arith.constant 0 : index
    %swap3A_267 = vector.load %arg3[%swap3A_264, %swap3A_265, %swap3A_266] : memref<64x16x512xf32, #tpu.memory_space<vmem>>, vector<64x1x512xf32>
    %swap3A_268 = vector.shape_cast %swap3A_267 : vector<64x1x512xf32> to vector<64x512xf32>
    %swap3A_269 = vector.shape_cast %select_n3A_263 : vector<64x512xf32> to vector<64x1x512xf32>
    tpu.vector_store %arg3[%swap3A_264, %swap3A_265, %swap3A_266], %swap3A_269 {strides = array<i32>} : memref<64x16x512xf32, #tpu.memory_space<vmem>>, vector<64x1x512xf32>,
    %slice3A_270 = vector.extract_strided_slice %get3A_6 {offsets = [7680], sizes = [512], strides = [1]} : vector<8192xi32> to vector<512xi32>
    %ge3A_271 = arith.constant 0 : i32
    %ge3A_272 = vector.broadcast %ge3A_271 : i32 to vector<512xi32>
    %ge3A_273 = arith.cmpi sge, %slice3A_270, %ge3A_272 : vector<512xi32>
    %broadcast_in_dim3A_274 = vector.shape_cast %ge3A_273 : vector<512xi1> to vector<1x512xi1>
    %slice3A_275 = vector.extract_strided_slice %get3A_1 {offsets = [7680, 0], sizes = [512, 64], strides = [1, 1]} : vector<8192x128xf32> to vector<512x64xf32>
    %transpose3A_276 = tpu.transpose %slice3A_275, [1, 0] : vector<512x64xf32> -> vector<64x512xf32>
    %jit3A_277 = arith.constant 0.000000e+00 : f32
    %broadcast_in_dim3A_278 = vector.shape_cast %broadcast_in_dim3A_274 : vector<1x512xi1> to vector<1x512xi1>
    %broadcast_in_dim3A_279 = vector.broadcast %broadcast_in_dim3A_278 : vector<1x512xi1> to vector<64x512xi1>
    %broadcast_in_dim3A_280 = vector.broadcast %jit3A_277 : f32 to vector<64x512xf32>
    %select_n3A_281 = arith.select %broadcast_in_dim3A_279, %transpose3A_276, %broadcast_in_dim3A_280 : vector<64x512xi1>, vector<64x512xf32>
    %swap3A_282 = arith.constant 0 : index
    %swap3A_283 = arith.constant 15 : index
    %swap3A_284 = arith.constant 0 : index
    %swap3A_285 = vector.load %arg3[%swap3A_282, %swap3A_283, %swap3A_284] : memref<64x16x512xf32, #tpu.memory_space<vmem>>, vector<64x1x512xf32>
    %swap3A_286 = vector.shape_cast %swap3A_285 : vector<64x1x512xf32> to vector<64x512xf32>
    %swap3A_287 = vector.shape_cast %select_n3A_281 : vector<64x512xf32> to vector<64x1x512xf32>
    tpu.vector_store %arg3[%swap3A_282, %swap3A_283, %swap3A_284], %swap3A_287 {strides = array<i32>} : memref<64x16x512xf32, #tpu.memory_space<vmem>>, vector<64x1x512xf32>,
    return
  }
  func.func @transform_0(%arg0: i32) -> (i32, i32) {
    %c0_i32 = arith.constant 0 : i32
    %c0_i32_0 = arith.constant 0 : i32
    return %arg0, %c0_i32 : i32, i32
  }
  func.func @transform_1(%arg0: i32) -> (i32, i32, i32) {
    %c0_i32 = arith.constant 0 : i32
    %c0_i32_0 = arith.constant 0 : i32
    %c0_i32_1 = arith.constant 0 : i32
    return %arg0, %c0_i32, %c0_i32_0 : i32, i32, i32
  }
  func.func @transform_2(%arg0: i32) -> (i32, i32, i32) {
    %c0_i32 = arith.constant 0 : i32
    %c0_i32_0 = arith.constant 0 : i32
    %c0_i32_1 = arith.constant 0 : i32
    return %c0_i32, %arg0, %c0_i32_0 : i32, i32, i32
  }
}

</mosaic_0001>

<sc_bundles>
// kernel: kernel.5.cloned.1.call-start
scs
__scs_entry_jumppad:
0x0: {  	(pc) =	sbr.rel $0x88, $3  }
0x1: {  	(tag) =	ssettag $0x0;
	lr =	simm.s32 $0x1  }
0x2: {  	[smem:$0x3F9F] =	sst lr;
	_ =	strace $0xD0000000  }
0x3: {  	_ = 	snop  }
0x4: {  	_ = 	snop  }
0x5: {  	_ = 	snop  }
0x6: {  	_ = 	snop  }
0x7: {  	_ = 	snop  }
__scs_overlays_trampoline_lowered:
0x8: {  	[smem:$0x3FAE] =	sst s0  }
0x9: {  	[smem:$0x3FAF] =	sst s1  }
0xa: {  	[smem:$0x3FB0] =	sst s2  }
0xb: {  	[smem:$0x3FB1] =	sst s3  }
0xc: {  	[smem:$0x3FB2] =	sst s4  }
0xd: {  	[smem:$0x3FB3] =	sst s5  }
0xe: {  	[smem:$0x3FB4] =	sst s6  }
0xf: {  	[smem:$0x3FB5] =	sst s7  }
0x10: {  	[smem:$0x3FB6] =	sst s8  }
0x11: {  	[smem:$0x3FB7] =	sst s9;
	s0 =	simm.s32 @!p0 $0x0  }
0x12: {  	s1 =	sld [smem:$0x3F9D];
	s0 =	simm.s32 @p0 $0x1  }
0x13: {  	[smem:$0x3FB8] =	sst s0;
	s0 =	simm.s32 @!p1 $0x0  }
0x14: {  	s2 =	sld [smem:$0x3F9C];
	s0 =	simm.s32 @p1 $0x1  }
0x15: {  	[smem:$0x3FB9] =	sst s0;
	s0 =	simm.s32 @!p2 $0x0  }
0x16: {  	s3 =	sld [smem:$0x3FDB];
	s0 =	simm.s32 @p2 $0x1  }
0x17: {  	s4 =	simm.s32 $0x1BF5;
	[smem:$0x3FBB] =	sst s0  }
0x18: {  	s0 =	sld [smem:$0x3F9E];
	_ =	swait.ge [sflag:s4], $0x0  }
0x19: {  	s7 =	sld [smem:$0x3F9F]  }
0x1a: {  	s8 =	sadd.s32 $0xFFFFE003, lr  }
0x1b: {  	s9 =	sadd.s32 $0xFFFFFEF7, lr;
	s5 =	simm.s32 $0xFFFFFFFF;
	p2 =	slt.u32 s8, $0xFFFFF086  }
0x1c: {  	p1 =	slt.u32 s9, $0xF7A;
	s5 =	simm.s32 @!p2 $0x0  }
0x1d: {  	s5 =	simm.s32 @p1 $0x1;
	p0 =	seq.s32 s7, s2  }
0x1e: {  	s7 =	smul.u32 @!p0 $0xF7A, s2;
	p2 =	seq.s32 @!p0 s5, $0x0  }
0x1f: {  	s9 =	smul.u32 $0xF7A, s1;
	s8 =	simm.s32 @!p0 $0x1BF5;
	p2 =	por !p2, p0  }
0x20: {  	[sflag:s8] =	ssyncset.s32 @!p0 $0xFFFFF086;
	s6 =	sadd.s32 @!p0 s3, s7;
	s7 =	simm.s32 @!p0 $0x108  }
0x21: {  	s3 =	sadd.s32 s3, s9;
	s6 =	sadd.s32 @!p0 $0x88, s6;
	s7 =	simm.s32 @p2 $0x1082  }
0x22: {  	[simem:s7], [sflag:s8] =	dma.local @!p0 [hbm:s6], $0xF7A  }
0x23: {  	s9 =	sor.u32 $0xD0000000, s2;
	s6 =	simm.s32 $0x108;
	_ =	swait.ge @!p0 [sflag:s8], $0x0  }
0x24: {  	s3 =	sadd.s32 $0x88, s3;
	s6 =	simm.s32 @!p1 $0x1082;
	[sflag:s4] =	ssyncset.s32 $0xFFFFF086  }
0x25: {  	[simem:s6], [sflag:s4] =	dma.local [hbm:s3], $0xF7A  }
0x26: {  	[smem:$0x3F9F] =	sst s1;
	(tag) =	ssettag s2;
	_ =	strace s9  }
0x27: {  	s1 =	sld [smem:$0x3FAF]  }
0x28: {  	s2 =	sld [smem:$0x3FB0]  }
0x29: {  	s4 =	sld [smem:$0x3FB2]  }
0x2a: {  	p0 =	seq.s32 s5, $0x0;
	s5 =	sld [smem:$0x3FB3]  }
0x2b: {  	s6 =	sld [smem:$0x3FB4]  }
0x2c: {  	s7 =	sld [smem:$0x3FB5]  }
0x2d: {  	s3 =	simm.s32 $0x108;
	s8 =	sld [smem:$0x3FB6]  }
0x2e: {  	s3 =	simm.s32 @!p0 $0x1082;
	s9 =	sld [smem:$0x3FB7]  }
0x2f: {  	lr =	sadd.s32 s0, s3;
	s0 =	sld [smem:$0x3FAE]  }
0x30: {  	s3 =	sld [smem:$0x3FB1]  }
0x31: {  	[smem:$0x3FBA] =	sst s10  }
0x32: {  	s10 =	sld [smem:$0x3FB8];
	_ =	sdelay $0x3  }
0x33: {  	p0 =	seq.s32 s10, $0x1;
	s10 =	sld [smem:$0x3FBA];
	_ =	sdelay $0x3  }
0x34: {  	[smem:$0x3FBA] =	sst s10  }
0x35: {  	s10 =	sld [smem:$0x3FB9];
	_ =	sdelay $0x3  }
0x36: {  	p1 =	seq.s32 s10, $0x1;
	s10 =	sld [smem:$0x3FBA];
	_ =	sdelay $0x3  }
0x37: {  	[smem:$0x3FBA] =	sst s10  }
0x38: {  	s10 =	sld [smem:$0x3FBB]  }
0x39: {  	_ = 	snop;
	(pc) =	sbr.ind lr, $3  }
0x3a: {  	_ = 	snop  }
0x3b: {  	_ = 	snop  }
0x3c: {  	p2 =	seq.s32 s10, $0x1;
	s10 =	sld [smem:$0x3FBA]  }
0x3d: {  	_ =	shalt  }
0x3e: {  	_ =	shalt  }
0x3f: {  	_ =	shalt  }
0x40: {  	_ =	shalt  }
0x41: {  	_ =	shalt  }
0x42: {  	_ =	shalt  }
0x43: {  	_ =	shalt  }
0x44: {  	_ =	shalt  }
0x45: {  	_ =	shalt  }
0x46: {  	_ =	shalt  }
0x47: {  	_ =	shalt  }
0x48: {  	_ =	shalt  }
0x49: {  	_ =	shalt  }
0x4a: {  	_ =	shalt  }
0x4b: {  	_ =	shalt  }
0x4c: {  	_ =	shalt  }
0x4d: {  	_ =	shalt  }
0x4e: {  	_ =	shalt  }
0x4f: {  	_ =	shalt  }
0x50: {  	_ =	shalt  }
0x51: {  	_ =	shalt  }
0x52: {  	_ =	shalt  }
0x53: {  	_ =	shalt  }
0x54: {  	_ =	shalt  }
0x55: {  	_ =	shalt  }
0x56: {  	_ =	shalt  }
0x57: {  	_ =	shalt  }
0x58: {  	_ =	shalt  }
0x59: {  	_ =	shalt  }
0x5a: {  	_ =	shalt  }
0x5b: {  	_ =	shalt  }
0x5c: {  	_ =	shalt  }
0x5d: {  	_ =	shalt  }
0x5e: {  	_ =	shalt  }
0x5f: {  	_ =	shalt  }
0x60: {  	_ =	shalt  }
0x61: {  	_ =	shalt  }
0x62: {  	_ =	shalt  }
0x63: {  	_ =	shalt  }
0x64: {  	_ =	shalt  }
0x65: {  	_ =	shalt  }
0x66: {  	_ =	shalt  }
0x67: {  	_ =	shalt  }
0x68: {  	_ =	shalt  }
0x69: {  	_ =	shalt  }
0x6a: {  	_ =	shalt  }
0x6b: {  	_ =	shalt  }
0x6c: {  	_ =	shalt  }
0x6d: {  	_ =	shalt  }
0x6e: {  	_ =	shalt  }
0x6f: {  	_ =	shalt  }
0x70: {  	_ =	shalt  }
0x71: {  	_ =	shalt  }
0x72: {  	_ =	shalt  }
0x73: {  	_ =	shalt  }
0x74: {  	_ =	shalt  }
0x75: {  	_ =	shalt  }
0x76: {  	_ =	shalt  }
0x77: {  	_ =	shalt  }
0x78: {  	_ =	shalt  }
0x79: {  	_ =	shalt  }
0x7a: {  	_ =	shalt  }
0x7b: {  	_ =	shalt  }
0x7c: {  	_ =	shalt  }
0x7d: {  	_ =	shalt  }
0x7e: {  	_ =	shalt  }
0x7f: {  	_ =	shalt  }
0x80: {  	_ =	shalt  }
0x81: {  	_ =	shalt  }
0x82: {  	_ =	shalt  }
0x83: {  	_ =	shalt  }
0x84: {  	_ =	shalt  }
0x85: {  	_ =	shalt  }
0x86: {  	_ =	shalt  }
0x87: {  	_ =	shalt  }
.Lfunc_end0:
.L_simem_size_0:
called_computation_lowered:
.L_overlay_start_0:
0x88: {  	s2 =	sld [smem:$0x3FD9]  }
0x89: {  	s3 =	sld [smem:$0x3FFE];
	_ =	sdelay $0x1  }
0x8a: {  	s1 =	srdreg.scid  }
0x8b: {  	s0 =	sand.u32 $0x1, s1  }
0x8c: {  	s17 =	sshll.u32 s0, $0xA;
	s2 =	sadd.s32 s3, s2  }
0x8d: {  	s2 =	sadd.s32 s2, s17  }
0x8e: {  	[smem:$0x3FC6] =	sst s2  }
0x8f: {  	_ = 	snop  }
0x90: {  	s2 =	sld [smem:$0x3FD0];
	(tm) =	ssettm $0x1  }
0x91: {  	s18 =	sld [smem:$0x3FFB];
	_ =	sdelay $0x3  }
0x92: {  	_ =	strace s18  }
0x93: {  	s3 =	sld [smem:$0x3FFC];
	_ =	sdelay $0x3  }
0x94: {  	_ =	strace s3  }
0x95: {  	s3 =	sld [smem:$0x3FFD];
	_ =	sdelay $0x3  }
0x96: {  	_ =	strace s3  }
0x97: {  	_ =	strace $0x8FFFFFFF  }
0x98: {  	s19 =	sld [smem:$0x3FDB];
	_ =	sdelay $0x1  }
0x99: {  	s4 =	simm.s32 $_scs_section_size  }
0x9a: {  	s5 =	simm.s32 $_size__tile_overlayer_lowered;
	s6 =	simm.s32 $_tile_overlayer_lowered  }
0x9b: {  	s22 =	simm.s32 $0x1BFF;
	s21 =	sshll.u32 s6, $0x1;
	s3 =	sadd.s32 s4, s19  }
0x9c: {  	s7 =	simm.s32 $0x0;
	s20 =	sshll.u32 s5, $0x1;
	s5 =	sadd.s32 s21, s3  }
0x9d: {  	[timem:s7], [sflag:s22] =	dma.local [hbm:s5], s20  }
0x9e: {  	_ =	swait.ge [sflag:s22], s20  }
0x9f: {  	s4 =	ssub.s32 $0x0, s20;
	[sflag:s22] =	ssyncset.done $0x0  }
0xa0: {  	[sflag:s22] =	ssyncadd.s32 s4;
	_ =	sdelay $0x1  }
0xa1: {  	s23 =	simm.s32 $0x1B8B  }
0xa2: {  	_ =	swait.ge [sflag:s23], $0x1  }
0xa3: {  	[sflag:s23] =	ssyncset.done $0x0  }
0xa4: {  	s25 =	simm.s32 $0x1B8E;
	s24 =	sld [smem:$0x3FFE];
	[sflag:s23] =	ssyncadd.s32 $0xFFFFFFFF  }
0xa5: {  	s26 =	simm.s32 $execute0_lowered;
	[smem:$0x3FD2] =	sst s25  }
0xa6: {  	s5 =	sshll.u32 s26, $0x1;
	_ =	strace $0x80000046;
	[dreg:$0x1] =	wrdreg $0xFFFFFFFF  }
0xa7: {  	s28 =	simm.s32 $_size_execute0_lowered;
	s3 =	sadd.s32 s3, s5;
	[dreg:$0x0] =	wrdreg $0x0  }
0xa8: {  	s5 =	sshll.u32 s28, $0x1;
	[dreg:$0x2] =	wrdreg s3  }
0xa9: {  	[dreg:$0x3] =	wrdreg s5  }
0xaa: {  	[dreg:$0x4] =	wrdreg $0xC0  }
0xab: {  	_ =	task [dreg:s7], $0x5FFFF  }
0xac: {  	[dreg:$0x1] =	wrdreg $0xFFFFFFFF  }
0xad: {  	[dreg:$0x0] =	wrdreg $0x60  }
0xae: {  	[dreg:$0x2] =	wrdreg s24  }
0xaf: {  	[dreg:$0x3] =	wrdreg s2  }
0xb0: {  	[dreg:$0x4] =	wrdreg $0x9  }
0xb1: {  	_ =	task.clear_ibuf [dreg:s7], $0x5FFFF;
	_ =	strace $0x90000046  }
0xb2: {  	s29 =	simm.s32 $0x9;
	_ =	strace $0x80000048  }
0xb3: {  	_ =	swait.ge [sflag:s29], $0x1  }
0xb4: {  	[sflag:s29] =	ssyncadd.s32 $0xFFFFFFFF  }
0xb5: {  	_ =	strace $0x90000048  }
0xb6: {  	_ =	sfence  }
0xb7: {  	s30 =	sld [smem:$0x0];
	_ =	sdelay $0x2  }
0xb8: {  	s31 =	sshll.u32 s1, $0xD;
	s1 =	sshrl.u32 s1, $0x2  }
0xb9: {  	s3 =	sand.u32 $0x4000, s31;
	s1 =	sadd.s32 s1, s30  }
0xba: {  	s0 =	sor.u32 s3, s0;
	s1 =	sshll.u32 s1, $0x11  }
0xbb: {  	s0 =	sor.u32 s1, s0  }
0xbc: {  	s0 =	sadd.s32 $0x8F2B, s0  }
0xbd: {  	[sflag:s0] =	ssyncadd.remote.s32 $0x1  }
0xbe: {  	_ =	sfence.sel $0xFFFF  }
0xbf: {  	[dreg:$0x0] =	wrdreg $0xFFFFFFFF;
	(pc) =	sbr.abs _section_cstart, $3  }
0xc0: {  	[dreg:$0x1] =	wrdreg $0xFFFFFFFF  }
0xc1: {  	_ =	task.clear_ibuf [dreg:s7], $0x2FFFF;
	_ =	strace $0x9FFFFFFF  }
0xc2: {  	(tm) =	ssettm $0x7FFFFFFF  }
0xc3: {  	_ =	shalt  }
tec
execute0_lowered:
.L_overlay_start_1:
0x0: {  	(tag) =	ssettag $0x1  }
0x1: {  	s6 =	rddreg [dreg:$0x0]  }
0x2: {  	s1 =	rddreg [dreg:$0x1];
	s2 =	srdreg.scid  }
0x3: {  	s0 =	rddreg [dreg:$0x2];
	s3 =	simm.s32 $0x0;
	s13 =	simm.s32 $0x80  }
0x4: {  	s14 =	simm.s32 $0x10500;
	s15 =	simm.s32 $0x0;
	s7 =	sand.u32 $0x1, s2  }
0x5: {  	[smem:$0x7FF] =	sst s3;
	s2 =	stileid.u32;
	s5 =	sadd.s32 $0x9C00, s6  }
0x6: {  	s4 =	sshll.u32 s7, $0x4;
	_ =	strace $0x80000047;
	s10 =	ssub.s32 $0x2, s7  }
0x7: {  	s11 =	sshll.u32 s7, $0x11;
	s12 =	sshll.u32 s2, $0xD;
	s8 =	sor.u32 s2, s4  }
.Ltmp0:
0x8: {  	s4 =	sadd.s32 $0xC00, s6;
	s30 =	sshrl.u32 s10, $0x1;
	(pc) =	sbr.rel .LBB2_1-.Ltmp0, $4  }
0x9: {  	s9 =	sshll.u32 s8, $0xA;
	s31 =	sshll.u32 s8, $0xD;
	s8 =	sshll.u32 s8, $0x7  }
0xa: {  	s6 =	sadd.s32 s9, s6;
	s9 =	ssub.s32 s10, s30;
	s7 =	sor.u32 $0x40000, s8  }
0xb: {  	v1 =	vimm.s32 $0xFFFFFFFF;
	s10 =	simm.s32 $0x2;
	s6 =	sadd.s32 $0x1C00, s6;
	s8 =	smax.u32 s9, $0x1  }
0xc: {  	v2 =	vlaneseq.u32;
	v3 =	vimm.s32 $0x0;
	v0 =	vmov s31;
	s9 =	sor.u32 s12, s11;
	s11 =	simm.s32 $0x8000;
	s12 =	simm.s32 $0x1  }
.LBB2_14:
0xd: {  	[sflag:s12] =	ssyncadd.s32 $0xFFFFC000  }
.LBB2_15:
0xe: {  	s15 =	sadd.s32 $0x1, s15  }
0xf: {  	p0 =	sne.s32 s15, s8  }
.Ltmp1:
0x10: {  	_ = 	snop;
	(pc) =	sbr.rel @!p0 .LBB2_16-.Ltmp1, $1  }
0x11: {  	_ =	sdelay $0x3  }
.LBB2_1:
0x12: {  	[tilespmem:s3], [sflag:$0x2] =	stream.linear.gather [hbm4b:s4+s3], $0x8000, $0x38;
	[tilespmem:$0x14500] =	vst v63  }
0x13: {  	_ =	swait.ge [sflag:s10], $0x8000  }
0x14: {  	[sflag:s10] =	ssyncset.done $0x0  }
0x15: {  	s16 =	simm.s32 $0x0;
	[sflag:s10] =	ssyncadd.s32 $0xFFFF8000  }
.LBB2_2:
0x16: {  	p0 =	sne.s32 s16, $0x7FC0  }
.Ltmp2:
0x17: {  	_ = 	snop;
	(pc) =	sbr.rel @p0 .LBB2_2-.Ltmp2, $3  }
0x18: {  	_ =	sdelay $0x1  }
0x19: {  	s17 =	sshra.s32 s16, $0x2  }
0x1a: {  	s16 =	sadd.s32 $0x40, s16;
	[tilespmem:s17+$0x8000] =	vst v1  }
0x1b: {  	s16 =	simm.s32 $0x0;
	s17 =	simm.s32 $0x20  }
.LBB2_4:
0x1c: {  	v4 =	vld [tilespmem:s17+$0xFFFFFFE0];
	_ =	sdelay $0x4  }
0x1d: {  	v5 =	vsub.s32 v4, v0  }
0x1e: {  	vm0 =	vlt.u32 v5, $0x2000  }
0x1f: {  	(xrf1) =	vunique.msk.u32 vm0, v5;
	_ =	sdelay $0xd  }
0x20: {  	_, v6, vm1 =	vpop (xrf1)  }
0x21: {  	v4 =	vand.u32 $0x7F, v4;
	v5 =	vand.u32 $0xFFFFFF80, v5;
	vm0 =	vmand vm0, vm1  }
0x22: {  	v4 =	vor.u32 v4, v5;
	_ =	sdelay $0x3  }
0x23: {  	v5 =	vor.u32 s16, v2  }
0x24: {  	[tilespmem:v4+s11+$0x0] =	vst.idx.msk vm0, v5  }
0x25: {  	v4 =	vld [tilespmem:s17+$0xFFFFFFF0];
	_ =	sdelay $0x4  }
0x26: {  	v5 =	vsub.s32 v4, v0  }
0x27: {  	vm10 =	vlt.u32 v5, $0x2000  }
0x28: {  	(xrf1) =	vunique.msk.u32 vm10, v5;
	_ =	sdelay $0xd  }
0x29: {  	_, v6, vm11 =	vpop (xrf1)  }
0x2a: {  	v4 =	vand.u32 $0x7F, v4;
	v5 =	vand.u32 $0xFFFFFF80, v5;
	vm0 =	vmand vm10, vm11  }
0x2b: {  	v4 =	vor.u32 v4, v5;
	_ =	sdelay $0x2  }
0x2c: {  	s18 =	sadd.s32 $0x10, s16  }
0x2d: {  	v5 =	vor.u32 s18, v2  }
0x2e: {  	[tilespmem:v4+s11+$0x0] =	vst.idx.msk vm0, v5  }
0x2f: {  	v4 =	vld [tilespmem:s17+$0x0];
	_ =	sdelay $0x4  }
0x30: {  	v5 =	vsub.s32 v4, v0  }
0x31: {  	vm12 =	vlt.u32 v5, $0x2000  }
0x32: {  	(xrf1) =	vunique.msk.u32 vm12, v5;
	_ =	sdelay $0xd  }
0x33: {  	_, v6, vm13 =	vpop (xrf1)  }
0x34: {  	v4 =	vand.u32 $0x7F, v4;
	v5 =	vand.u32 $0xFFFFFF80, v5;
	vm0 =	vmand vm12, vm13  }
0x35: {  	v4 =	vor.u32 v4, v5;
	_ =	sdelay $0x2  }
0x36: {  	s30 =	sadd.s32 $0x20, s16  }
0x37: {  	v5 =	vor.u32 s30, v2  }
0x38: {  	[tilespmem:v4+s11+$0x0] =	vst.idx.msk vm0, v5  }
0x39: {  	v4 =	vld [tilespmem:s17+$0x10];
	_ =	sdelay $0x4  }
0x3a: {  	v5 =	vsub.s32 v4, v0  }
0x3b: {  	vm14 =	vlt.u32 v5, $0x2000  }
0x3c: {  	(xrf1) =	vunique.msk.u32 vm14, v5;
	_ =	sdelay $0xd  }
0x3d: {  	_, v6, vm15 =	vpop (xrf1)  }
0x3e: {  	v4 =	vand.u32 $0x7F, v4;
	v5 =	vand.u32 $0xFFFFFF80, v5;
	vm0 =	vmand vm14, vm15  }
0x3f: {  	p0 =	sne.s32 s16, $0x7FC0;
	v4 =	vor.u32 v4, v5  }
.Ltmp3:
0x40: {  	_ = 	snop;
	(pc) =	sbr.rel @p0 .LBB2_4-.Ltmp3, $4  }
0x41: {  	_ = 	snop  }
0x42: {  	s31 =	sadd.s32 $0x30, s16  }
0x43: {  	v5 =	vor.u32 s31, v2  }
0x44: {  	s16 =	sadd.s32 $0x40, s16;
	s17 =	sadd.s32 $0x40, s17;
	[tilespmem:v4+s11+$0x0] =	vst.idx.msk vm0, v5  }
0x45: {  	s16 =	simm.s32 $0x0  }
0x46: {  	[hbm4b:s6+s16] =	stream.linear.scatter [tilespmem:s11], [sflag:$0x2], $0x2000, $0x38;
	[tilespmem:$0x14500] =	vst v63  }
0x47: {  	_ =	swait.ge [sflag:s10], $0x2000  }
0x48: {  	[sflag:s10] =	ssyncset.done $0x0  }
0x49: {  	s17 =	simm.s32 $0x0;
	[sflag:s10] =	ssyncadd.s32 $0xFFFFE000  }
0x4a: {  	v4 =	vld [tilespmem:s17+$0x8000];
	_ =	sdelay $0x4  }
0x4b: {  	vm0 =	vgt.s32 v4, $0xFFFFFFFF  }
0x4c: {  	v5 =	vmpcnt.ones.xlane vm0;
	_ =	sdelay $0x1  }
0x4d: {  	(v2sf) =	vpush v5, $0x0;
	_ =	sdelay $0x5  }
0x4e: {  	[tilespmem:s16+$0xA000] =	vst.msk vm0, v4;
	v4 =	vor.u32 s9, v2  }
0x4f: {  	s19 =	simm.s32 $0x10;
	s18 =	simm.s32 $0x80;
	s17 =	smov.u32 s9;
	[tilespmem:s16+$0xC080] =	vst.msk vm0, v4  }
.LBB2_6:
0x50: {  	p0 =	sne.s32 s18, $0x7FC0;
	v4 =	vld [tilespmem:s19+$0x8000];
	_ =	sdelay $0x4  }
0x51: {  	vm0 =	vgt.s32 v4, $0xFFFFFFFF  }
0x52: {  	v5 =	vmpcnt.ones.xlane vm0  }
0x53: {  	s19 =	spop (v2sf)  }
0x54: {  	s17 =	sadd.s32 $0x10, s17;
	(v2sf) =	vpush v5, $0x0;
	s16 =	sadd.s32 s16, s19  }
0x55: {  	[tilespmem:s16+$0xA000] =	vst.msk vm0, v4;
	v4 =	vor.u32 s17, v2  }
0x56: {  	[tilespmem:s16+$0xC080] =	vst.msk vm0, v4  }
.Ltmp4:
0x57: {  	(pc) =	sbr.rel @p0 .LBB2_6-.Ltmp4, $2  }
0x58: {  	_ =	sdelay $0x2  }
0x59: {  	s19 =	sshra.s32 s18, $0x2;
	s18 =	sadd.s32 $0x40, s18  }
0x5a: {  	v4 =	vld [tilespmem:s19+$0x8000];
	_ =	sdelay $0x4  }
0x5b: {  	vm0 =	vgt.s32 v4, $0xFFFFFFFF  }
0x5c: {  	v5 =	vmpcnt.ones.xlane vm0;
	_ =	sdelay $0x1  }
0x5d: {  	(v2sf) =	vpush v5, $0x0;
	_ =	sdelay $0xd  }
0x5e: {  	s18 =	spop (v2sf)  }
0x5f: {  	s30 =	sadd.s32 s16, s18;
	s31 =	spop (v2sf)  }
0x60: {  	s18 =	sadd.s32 s30, s31  }
0x61: {  	s17 =	sadd.s32 $0x10, s17;
	s18 =	sshll.u32 s18, $0x2  }
0x62: {  	[tilespmem:s30+$0xA000] =	vst.msk vm0, v4;
	v4 =	vor.u32 s17, v2;
	s17 =	simm.s32 $0x0;
	s16 =	sadd.s32 s30, s31;
	s20 =	sshra.s32 s18, $0x2  }
0x63: {  	[tilespmem:s30+$0xC080] =	vst.msk vm0, v4;
	s18 =	sadd.s32 $0xA000, s20;
	s19 =	sadd.s32 $0xC080, s20;
	s20 =	simm.s32 $0x0  }
.LBB2_8:
0x64: {  	p0 =	sne.s32 s20, $0x70  }
.Ltmp5:
0x65: {  	_ = 	snop;
	(pc) =	sbr.rel @p0 .LBB2_8-.Ltmp5, $4  }
0x66: {  	_ = 	snop  }
0x67: {  	s21 =	sor.u32 s7, s20  }
0x68: {  	[tilespmem:s18+$0x0] =	vst v3;
	v4 =	vor.u32 s21, v2  }
0x69: {  	s18 =	sadd.s32 $0x10, s18;
	s20 =	sadd.s32 $0x10, s20;
	[tilespmem:s19+$0x0] =	vst v4;
	s19 =	sadd.s32 $0x10, s19  }
0x6a: {  	s18 =	simm.s32 $0xC080  }
0x6b: {  	v4 =	vld [tilespmem:s18+$0x0];
	_ =	sdelay $0x2  }
0x6c: {  	s19 =	simm.s32 $0x10;
	s17 =	sand.u32 $0x3FF0, s17  }
.LBB2_10:
0x6d: {  	p0 =	sne.s32 s19, $0x2070  }
0x6e: {  	[tilespmem:s17+$0xE100] =	vst v4;
	s18 =	sadd.s32 $0x10, s18;
	s17 =	smov.u32 s19;
	s19 =	sadd.s32 $0x10, s19  }
.Ltmp6:
0x6f: {  	v4 =	vld [tilespmem:s18+$0x0];
	(pc) =	sbr.rel @p0 .LBB2_10-.Ltmp6, $2  }
0x70: {  	_ =	sdelay $0x2  }
0x71: {  	s17 =	sand.u32 $0x3FF0, s17  }
0x72: {  	s16 =	sadd.s32 $0x7F, s16  }
0x73: {  	s18 =	sand.u32 $0x7F, s16  }
0x74: {  	s19 =	sshra.s32 s16, $0x1F;
	p0 =	slt.s32 s16, $0x1;
	p1 =	sne.s32 s18, $0x0  }
0x75: {  	s31 =	sshrl.u32 s19, $0x19;
	p0 =	por !p0, !p1  }
0x76: {  	s18 =	simm.s32 $0x1;
	s16 =	sadd.s32 s31, s16;
	p0 =	por !p0, !p0  }
0x77: {  	s16 =	sshra.s32 s16, $0x7;
	s18 =	simm.s32 @!p0 $0x0  }
0x78: {  	s18 =	ssub.s32 s16, s18  }
0x79: {  	p0 =	slt.s32 s18, $0x1  }
.Ltmp7:
0x7a: {  	_ = 	snop;
	(pc) =	sbr.rel @p0 .LBB2_15-.Ltmp7, $2  }
0x7b: {  	_ =	sdelay $0x2  }
0x7c: {  	[tilespmem:s17+$0xE100] =	vst v4  }
0x7d: {  	s16 =	simm.s32 $0xA000  }
0x7e: {  	[tilespmem:s14], [sflag:$0x1] =	stream.indirect.gather [hbm4b:s1+s13], $0x80, s16, s13, $0xb8;
	[tilespmem:$0x14500] =	vst v63  }
0x7f: {  	p0 =	sne.s32 s18, $0x1;
	_ =	swait.ge [sflag:s12], $0x4000  }
.Ltmp8:
0x80: {  	[sflag:s12] =	ssyncset.done $0x0;
	(pc) =	sbr.rel @!p0 .LBB2_14-.Ltmp8, $4  }
0x81: {  	s17 =	simm.s32 $0xE100;
	[sflag:s12] =	ssyncadd.s32 $0xFFFFC000  }
0x82: {  	[hbm4b:s5+s13] =	stream.indirect.scatter [tilespmem:s14], [sflag:$0x1], $0x80, s17, s13, $0xb8;
	[tilespmem:$0x14500] =	vst v63  }
0x83: {  	_ =	swait.ge [sflag:s12], $0x4000  }
0x84: {  	s18 =	sadd.s32 $0xFFFFFFFF, s18;
	[sflag:s12] =	ssyncset.done $0x0  }
.LBB2_13:
0x85: {  	[sflag:s12] =	ssyncadd.s32 $0xFFFFC000;
	s17 =	sadd.s32 $0x80, s17;
	s16 =	sadd.s32 $0x80, s16  }
0x86: {  	[tilespmem:s14], [sflag:$0x1] =	stream.indirect.gather [hbm4b:s1+s13], $0x80, s16, s13, $0xb8;
	[tilespmem:$0x14500] =	vst v63  }
0x87: {  	p0 =	sne.s32 s18, $0x1;
	s18 =	sadd.s32 $0xFFFFFFFF, s18;
	_ =	swait.ge [sflag:s12], $0x4000  }
.Ltmp9:
0x88: {  	[sflag:s12] =	ssyncset.done $0x0;
	(pc) =	sbr.rel @p0 .LBB2_13-.Ltmp9, $4  }
0x89: {  	[sflag:s12] =	ssyncadd.s32 $0xFFFFC000  }
0x8a: {  	[hbm4b:s5+s13] =	stream.indirect.scatter [tilespmem:s14], [sflag:$0x1], $0x80, s17, s13, $0xb8;
	[tilespmem:$0x14500] =	vst v63  }
0x8b: {  	_ =	swait.ge [sflag:s12], $0x4000  }
0x8c: {  	[sflag:s12] =	ssyncset.done $0x0  }
.Ltmp10:
0x8d: {  	_ = 	snop;
	(pc) =	sbr.rel .LBB2_14-.Ltmp10, $1  }
0x8e: {  	_ =	sdelay $0x3  }
.LBB2_16:
0x8f: {  	_ =	sfence.sel $0x180000  }
0x90: {  	[bflag:$0x0] =	sbarrier.arrive $0xFFFF  }
0x91: {  	p0 =	sne.s32 s2, $0x0;
	_ =	strace $0x90000047  }
0x92: {  	s0 =	sadd.s32 @!p0 $0x100000, s0;
	[bflag:$0x2] =	sbarrier.arrive $0xFFFF  }
0x93: {  	[sflag:s0] =	ssyncadd.tile.s32 @!p0 $0x1;
	_ =	shalt  }
.Lfunc_end2:
_tile_overlayer_lowered:
.L_overlay_start_2:
0x94: {  	(tag) =	ssettag $0x2  }
0x95: {  	s0 =	rddreg [dreg:$0x0];
	s2 =	stileid.u32  }
0x96: {  	s1 =	rddreg [dreg:$0x1];
	p0 =	sne.s32 s2, $0x0  }
0x97: {  	s3 =	rddreg [dreg:$0x2];
	[bflag:$0x3] =	sbarrier.arrive $0xFFFF;
	s2 =	simm.s32 @!p0 $0x1C02  }
0x98: {  	[timem:s3], [sflag:s2] =	dma.local @!p0 [hbm:s0], s1  }
0x99: {  	s0 =	simm.s32 @!p0 $0x2  }
0x9a: {  	_ =	swait.ge @!p0 [sflag:s0], s1  }
0x9b: {  	s1 =	ssub.s32 @!p0 $0x0, s1;
	[sflag:s0] =	ssyncset.done @!p0 $0x0  }
0x9c: {  	[sflag:s0] =	ssyncadd.s32 @!p0 s1  }
0x9d: {  	[bflag:$0x3] =	sbarrier.arrive $0xFFFF  }
0x9e: {  	_ =	shalt  }

</sc_bundles>
